<compile_context>
chip_gen: v7x
topology: tpu7x:2x2x1
jax: 0.10.2.dev20260603
libtpu: 0.0.44.dev20260713+nightly
codegen_flags: <defaults>
</compile_context>

<pallas_src>
import functools

import jax
import jax.numpy as jnp
from jax import lax
from jax.experimental import pallas as pl
from jax.experimental.pallas import tpu as pltpu
from jax.experimental.pallas import tpu_sc as plsc

_NW = 32
_CHUNK = 4096


def _emb_call(x1, w1, b, s, d, v):
    n = x1.shape[0]
    nchunks = n // _CHUNK
    d_per = d // _NW
    nb = b // 128
    runs = _CHUNK // 128

    mesh = plsc.VectorSubcoreMesh(core_axis_name="c", subcore_axis_name="s")

    @functools.partial(
        pl.kernel,
        mesh=mesh,
        out_type=jax.ShapeDtypeStruct((s, d // 8, nb, 8 * 128), jnp.float32),
        compiler_params=pltpu.CompilerParams(
            use_tc_tiling_on_sc=False, needs_layout_passes=False
        ),
        scratch_types=[
            pltpu.VMEM((v,), jnp.float32),
            pltpu.VMEM((2, _CHUNK), jnp.int32),
            pltpu.VMEM((2, runs, 128), jnp.float32),
            pltpu.SemaphoreType.DMA((2,)),
            pltpu.SemaphoreType.DMA((2,)),
        ],
    )
    def emb(x_hbm, w_hbm, out_hbm, wrow_v, idx_v, out_v, isem, osem):
        wid = lax.axis_index("s") * 2 + lax.axis_index("c")

        def start_idx(c, pp):
            pltpu.async_copy(
                x_hbm.at[pl.ds(c * _CHUNK, _CHUNK)], idx_v.at[pp], isem.at[pp]
            )

        def wait_idx(pp):
            pltpu.make_async_copy(
                x_hbm.at[pl.ds(0, _CHUNK)], idx_v.at[pp], isem.at[pp]
            ).wait()

        cps = b // _CHUNK

        def out_slice(c, dd):
            return out_hbm.at[
                c // cps,
                dd // 8,
                pl.ds((c % cps) * runs, runs),
                pl.ds(pl.multiple_of((dd % 8) * 128, 128), 128),
            ]

        def start_out(c, dd, pp):
            pltpu.async_copy(out_v.at[pp], out_slice(c, dd), osem.at[pp])

        def wait_out(c, dd, pp):
            pltpu.make_async_copy(out_v.at[pp], out_slice(c, dd), osem.at[pp]).wait()

        def gather_chunk(pp):
            @plsc.parallel_loop(0, _CHUNK, 16, unroll=32)
            def _(i):
                iv = idx_v[pp, pl.ds(i, 16)]
                out_v[pp, i // 128, pl.ds(i % 128, 16)] = plsc.load_gather(
                    wrow_v, [iv]
                )

        for dloc in range(d_per):
            dd = wid * d_per + dloc
            pltpu.sync_copy(w_hbm.at[pl.ds(dd * v, v)], wrow_v)
            start_idx(0, 0)
            start_idx(1, 1)

            def body(cc, carry):
                for pp in range(2):
                    c = cc * 2 + pp

                    wait_idx(pp)

                    @pl.when(cc > 0)
                    def _():
                        wait_out(c - 2, dd, pp)

                    gather_chunk(pp)

                    @pl.when(cc < nchunks // 2 - 1)
                    def _():
                        start_idx(c + 2, pp)

                    start_out(c, dd, pp)
                return carry

            lax.fori_loop(0, nchunks // 2, body, 0)
            wait_out(nchunks - 2, dd, 0)
            wait_out(nchunks - 1, dd, 1)

    return emb(x1, w1)


def kernel(x, weight):
    b, s = x.shape
    v, d = weight.shape
    x1 = x.T.astype(jnp.int32).reshape(-1)
    w1 = weight.T.reshape(-1)
    out4 = _emb_call(x1, w1, b, s, d, v)
    out5 = out4.reshape(s, d // 8, b // 128, 8, 128)
    return out5.transpose(2, 4, 0, 1, 3).reshape(b, s, d)

# --- scband reference (transcript-rebuilt; emitter-appended) ---
"""Pipeline reference for scband-embedding-72344429134260 (READ-ONLY COPY).

The authoritative reference and input builder live on the scoring server;
editing this copy changes nothing except your own understanding.
"""

import jax, jax.numpy as jnp
import numpy as np

NUM_EMBEDDINGS = 100000
EMBEDDING_DIM = 64

def setup_inputs(seed: int = 0) -> dict:
    key = jax.random.key(seed)
    k1, k2 = jax.random.split(key)
    x = jax.random.randint(k1, (4096, 50), 0, NUM_EMBEDDINGS, dtype=jnp.int64 if jax.config.jax_enable_x64 else jnp.int32)
    weight = jax.random.normal(k2, (NUM_EMBEDDINGS, EMBEDDING_DIM), dtype=jnp.float32)
    return {"x": x, "weight": weight}

def reference(x, weight):
    # F.embedding with padding_idx=None is a plain row gather
    return jnp.take(weight, x, axis=0)

if __name__ == "__main__":
    import jax
    _d = setup_inputs()
    print(jax.jit(kernel)(*tuple(_d.values())))

</pallas_src>

<mosaic_0001>
#map = affine_map<(d0, d1) -> (0)>
#map1 = affine_map<(d0, d1) -> (0, 0, 0, 0)>
module attributes {stable_mosaic.version = 14 : i64} {
  func.func @emb(%arg0: i32, %arg1: i32, %arg2: memref<204800xi32, #tpu.memory_space<hbm>>, %arg3: memref<6400000xf32, #tpu.memory_space<hbm>>, %arg4: memref<50x8x32x1024xf32, #tpu.memory_space<hbm>>, %arg5: memref<100000xf32, #tpu.memory_space<vmem>>, %arg6: memref<2x4096xi32, #tpu.memory_space<vmem>>, %arg7: memref<2x32x128xf32, #tpu.memory_space<vmem>>, %arg8: memref<2x!tpu.dma_semaphore, #tpu.memory_space<semaphore_mem>>, %arg9: memref<2x!tpu.dma_semaphore, #tpu.memory_space<semaphore_mem>>) attributes {dimension_semantics = [#tpu.dimension_semantics<core_parallel>, #tpu.dimension_semantics<subcore_parallel>], iteration_bounds = array<i64: 2, 16>, scalar_prefetch = 0 : i64, scratch_operands = 5 : i64, tpu.core_type = #tpu.core_type<sc_vector_subcore>, window_params = [{transform_indices = #map}, {transform_indices = #map}, {transform_indices = #map1}]} {
    %mul3A = arith.constant 2 : i32
    %mul3A_0 = arith.muli %arg1, %mul3A : i32
    %add3A = arith.addi %mul3A_0, %arg0 : i32
    %mul3A_1 = arith.constant 2 : i32
    %mul3A_2 = arith.muli %add3A, %mul3A_1 : i32
    %add3A_3 = arith.constant 0 : i32
    %add3A_4 = arith.addi %mul3A_2, %add3A_3 : i32
    %mul3A_5 = arith.constant 100000 : i32
    %mul3A_6 = arith.muli %add3A_4, %mul3A_5 : i32
    "tpu.region"() ({
      %run_scoped3A = tpu.sem_alloc : memref<!tpu.dma_semaphore, #tpu.memory_space<semaphore_mem>>
      %dma_start3A_315 = tpu.memref_slice %arg3[%mul3A_6] : memref<6400000xf32, #tpu.memory_space<hbm>> -> memref<100000xf32, #tpu.memory_space<hbm>>
      %dma_start3A_316 = tpu.memref_slice %arg3[%mul3A_6] : memref<6400000xf32, #tpu.memory_space<hbm>> -> memref<100000xf32, #tpu.memory_space<hbm>>
      tpu.enqueue_dma source(%dma_start3A_316 : memref<100000xf32, #tpu.memory_space<hbm>>) target(%arg5 : memref<100000xf32, #tpu.memory_space<vmem>>) target_semaphore(%run_scoped3A : memref<!tpu.dma_semaphore, #tpu.memory_space<semaphore_mem>>)
      %dma_wait3A_317 = tpu.memref_slice %arg3[%mul3A_6] : memref<6400000xf32, #tpu.memory_space<hbm>> -> memref<100000xf32, #tpu.memory_space<hbm>>
      %dma_wait3A_318 = tpu.memref_slice %arg3[%mul3A_6] : memref<6400000xf32, #tpu.memory_space<hbm>> -> memref<100000xf32, #tpu.memory_space<hbm>>
      tpu.wait_dma2 semaphore(%run_scoped3A : memref<!tpu.dma_semaphore, #tpu.memory_space<semaphore_mem>>) src(%dma_wait3A_318 : memref<100000xf32, #tpu.memory_space<hbm>>) dst(%arg5 : memref<100000xf32, #tpu.memory_space<vmem>>)
      tpu.yield
    }) : () -> ()
    %dma_start3A = arith.constant 0 : i32
    %dma_start3A_7 = arith.constant 0 : i32
    %dma_start3A_8 = arith.constant 0 : i32
    %dma_start3A_9 = tpu.memref_slice %arg6[%dma_start3A, %dma_start3A_8] : memref<2x4096xi32, #tpu.memory_space<vmem>> -> memref<1x4096xi32, #tpu.memory_space<vmem>>
    %dma_start3A_10 = tpu.memref_squeeze %dma_start3A_9 : memref<1x4096xi32, #tpu.memory_space<vmem>> -> memref<4096xi32, #tpu.memory_space<vmem>>
    %dma_start3A_11 = arith.constant 0 : i32
    %dma_start3A_12 = tpu.memref_slice %arg2[%dma_start3A_11] : memref<204800xi32, #tpu.memory_space<hbm>> -> memref<4096xi32, #tpu.memory_space<hbm>>
    %dma_start3A_13 = tpu.memref_slice %arg8[%dma_start3A_7] : memref<2x!tpu.dma_semaphore, #tpu.memory_space<semaphore_mem>> -> memref<1x!tpu.dma_semaphore, #tpu.memory_space<semaphore_mem>>
    %dma_start3A_14 = tpu.memref_squeeze %dma_start3A_13 : memref<1x!tpu.dma_semaphore, #tpu.memory_space<semaphore_mem>> -> memref<!tpu.dma_semaphore, #tpu.memory_space<semaphore_mem>>
    %dma_start3A_15 = arith.constant 0 : i32
    %dma_start3A_16 = tpu.memref_slice %arg6[%dma_start3A, %dma_start3A_15] : memref<2x4096xi32, #tpu.memory_space<vmem>> -> memref<1x4096xi32, #tpu.memory_space<vmem>>
    %dma_start3A_17 = tpu.memref_squeeze %dma_start3A_16 : memref<1x4096xi32, #tpu.memory_space<vmem>> -> memref<4096xi32, #tpu.memory_space<vmem>>
    %dma_start3A_18 = arith.constant 0 : i32
    %dma_start3A_19 = tpu.memref_slice %arg2[%dma_start3A_18] : memref<204800xi32, #tpu.memory_space<hbm>> -> memref<4096xi32, #tpu.memory_space<hbm>>
    tpu.enqueue_dma source(%dma_start3A_19 : memref<4096xi32, #tpu.memory_space<hbm>>) target(%dma_start3A_17 : memref<4096xi32, #tpu.memory_space<vmem>>) target_semaphore(%dma_start3A_14 : memref<!tpu.dma_semaphore, #tpu.memory_space<semaphore_mem>>)
    %dma_start3A_20 = arith.constant 1 : i32
    %dma_start3A_21 = arith.constant 1 : i32
    %dma_start3A_22 = arith.constant 0 : i32
    %dma_start3A_23 = tpu.memref_slice %arg6[%dma_start3A_20, %dma_start3A_22] : memref<2x4096xi32, #tpu.memory_space<vmem>> -> memref<1x4096xi32, #tpu.memory_space<vmem>>
    %dma_start3A_24 = tpu.memref_squeeze %dma_start3A_23 : memref<1x4096xi32, #tpu.memory_space<vmem>> -> memref<4096xi32, #tpu.memory_space<vmem>>
    %dma_start3A_25 = arith.constant 4096 : i32
    %dma_start3A_26 = tpu.memref_slice %arg2[%dma_start3A_25] : memref<204800xi32, #tpu.memory_space<hbm>> -> memref<4096xi32, #tpu.memory_space<hbm>>
    %dma_start3A_27 = tpu.memref_slice %arg8[%dma_start3A_21] : memref<2x!tpu.dma_semaphore, #tpu.memory_space<semaphore_mem>> -> memref<1x!tpu.dma_semaphore, #tpu.memory_space<semaphore_mem>>
    %dma_start3A_28 = tpu.memref_squeeze %dma_start3A_27 : memref<1x!tpu.dma_semaphore, #tpu.memory_space<semaphore_mem>> -> memref<!tpu.dma_semaphore, #tpu.memory_space<semaphore_mem>>
    %dma_start3A_29 = arith.constant 0 : i32
    %dma_start3A_30 = tpu.memref_slice %arg6[%dma_start3A_20, %dma_start3A_29] : memref<2x4096xi32, #tpu.memory_space<vmem>> -> memref<1x4096xi32, #tpu.memory_space<vmem>>
    %dma_start3A_31 = tpu.memref_squeeze %dma_start3A_30 : memref<1x4096xi32, #tpu.memory_space<vmem>> -> memref<4096xi32, #tpu.memory_space<vmem>>
    %dma_start3A_32 = arith.constant 4096 : i32
    %dma_start3A_33 = tpu.memref_slice %arg2[%dma_start3A_32] : memref<204800xi32, #tpu.memory_space<hbm>> -> memref<4096xi32, #tpu.memory_space<hbm>>
    tpu.enqueue_dma source(%dma_start3A_33 : memref<4096xi32, #tpu.memory_space<hbm>>) target(%dma_start3A_31 : memref<4096xi32, #tpu.memory_space<vmem>>) target_semaphore(%dma_start3A_28 : memref<!tpu.dma_semaphore, #tpu.memory_space<semaphore_mem>>)
    %scan3A = arith.constant 0 : i32
    %scan3A_34 = arith.constant 0 : i32
    %scan3A_35 = arith.constant 25 : i32
    %scan3A_36 = arith.addi %scan3A_34, %scan3A_35 : i32
    %scan3A_37 = arith.constant 1 : i32
    scf.for %scan3A_315 = %scan3A_34 to %scan3A_36 step %scan3A_37  : i32 {
      %mul3A_316 = arith.constant 2 : i32
      %mul3A_317 = arith.muli %scan3A_315, %mul3A_316 : i32
      %add3A_318 = arith.constant 0 : i32
      %add3A_319 = arith.addi %mul3A_317, %add3A_318 : i32
      %dma_wait3A_320 = arith.constant 0 : i32
      %dma_wait3A_321 = arith.constant 0 : i32
      %dma_wait3A_322 = arith.constant 0 : i32
      %dma_wait3A_323 = tpu.memref_slice %arg6[%dma_wait3A_320, %dma_wait3A_322] : memref<2x4096xi32, #tpu.memory_space<vmem>> -> memref<1x4096xi32, #tpu.memory_space<vmem>>
      %dma_wait3A_324 = tpu.memref_squeeze %dma_wait3A_323 : memref<1x4096xi32, #tpu.memory_space<vmem>> -> memref<4096xi32, #tpu.memory_space<vmem>>
      %dma_wait3A_325 = arith.constant 0 : i32
      %dma_wait3A_326 = tpu.memref_slice %arg2[%dma_wait3A_325] : memref<204800xi32, #tpu.memory_space<hbm>> -> memref<4096xi32, #tpu.memory_space<hbm>>
      %dma_wait3A_327 = tpu.memref_slice %arg8[%dma_wait3A_321] : memref<2x!tpu.dma_semaphore, #tpu.memory_space<semaphore_mem>> -> memref<1x!tpu.dma_semaphore, #tpu.memory_space<semaphore_mem>>
      %dma_wait3A_328 = tpu.memref_squeeze %dma_wait3A_327 : memref<1x!tpu.dma_semaphore, #tpu.memory_space<semaphore_mem>> -> memref<!tpu.dma_semaphore, #tpu.memory_space<semaphore_mem>>
      %dma_wait3A_329 = arith.constant 0 : i32
      %dma_wait3A_330 = tpu.memref_slice %arg6[%dma_wait3A_320, %dma_wait3A_329] : memref<2x4096xi32, #tpu.memory_space<vmem>> -> memref<1x4096xi32, #tpu.memory_space<vmem>>
      %dma_wait3A_331 = tpu.memref_squeeze %dma_wait3A_330 : memref<1x4096xi32, #tpu.memory_space<vmem>> -> memref<4096xi32, #tpu.memory_space<vmem>>
      %dma_wait3A_332 = arith.constant 0 : i32
      %dma_wait3A_333 = tpu.memref_slice %arg2[%dma_wait3A_332] : memref<204800xi32, #tpu.memory_space<hbm>> -> memref<4096xi32, #tpu.memory_space<hbm>>
      tpu.wait_dma2 semaphore(%dma_wait3A_328 : memref<!tpu.dma_semaphore, #tpu.memory_space<semaphore_mem>>) src(%dma_wait3A_333 : memref<4096xi32, #tpu.memory_space<hbm>>) dst(%dma_wait3A_331 : memref<4096xi32, #tpu.memory_space<vmem>>)
      %gt3A = arith.constant 0 : i32
      %gt3A_334 = arith.cmpi sgt, %scan3A_315, %gt3A : i32
      %convert_element_type3A = arith.extui %gt3A_334 : i1 to i32
      %cond3A = arith.constant 0 : i32
      %cond3A_335 = arith.cmpi ne, %convert_element_type3A, %cond3A : i32
      scf.if %cond3A_335 {
        %sub3A_576 = arith.constant 2 : i32
        %sub3A_577 = arith.subi %add3A_319, %sub3A_576 : i32
        %jit3A_578 = arith.constant 1 : i32
        %div3A_579 = arith.divsi %sub3A_577, %jit3A_578 : i32
        %sign3A_580 = arith.constant 0 : i32
        %sign3A_581 = arith.cmpi sgt, %sub3A_577, %sign3A_580 : i32
        %sign3A_582 = arith.extui %sign3A_581 : i1 to i32
        %sign3A_583 = arith.constant 0 : i32
        %sign3A_584 = arith.cmpi slt, %sub3A_577, %sign3A_583 : i32
        %sign3A_585 = arith.extui %sign3A_584 : i1 to i32
        %sign3A_586 = arith.subi %sign3A_582, %sign3A_585 : i32
        %sign3A_587 = arith.constant 0 : i32
        %sign3A_588 = arith.cmpi sgt, %jit3A_578, %sign3A_587 : i32
        %sign3A_589 = arith.extui %sign3A_588 : i1 to i32
        %sign3A_590 = arith.constant 0 : i32
        %sign3A_591 = arith.cmpi slt, %jit3A_578, %sign3A_590 : i32
        %sign3A_592 = arith.extui %sign3A_591 : i1 to i32
        %sign3A_593 = arith.subi %sign3A_589, %sign3A_592 : i32
        %ne3A_594 = arith.cmpi ne, %sign3A_586, %sign3A_593 : i32
        %rem3A_595 = arith.remsi %sub3A_577, %jit3A_578 : i32
        %ne3A_596 = arith.constant 0 : i32
        %ne3A_597 = arith.cmpi ne, %rem3A_595, %ne3A_596 : i32
        %and3A_598 = arith.andi %ne3A_594, %ne3A_597 : i1
        %sub3A_599 = arith.constant 1 : i32
        %sub3A_600 = arith.subi %div3A_579, %sub3A_599 : i32
        %select_n3A_601 = arith.select %and3A_598, %sub3A_600, %div3A_579 : i32
        %jit3A_602 = arith.constant 8 : i32
        %div3A_603 = arith.divsi %add3A_4, %jit3A_602 : i32
        %sign3A_604 = arith.constant 0 : i32
        %sign3A_605 = arith.cmpi sgt, %add3A_4, %sign3A_604 : i32
        %sign3A_606 = arith.extui %sign3A_605 : i1 to i32
        %sign3A_607 = arith.constant 0 : i32
        %sign3A_608 = arith.cmpi slt, %add3A_4, %sign3A_607 : i32
        %sign3A_609 = arith.extui %sign3A_608 : i1 to i32
        %sign3A_610 = arith.subi %sign3A_606, %sign3A_609 : i32
        %sign3A_611 = arith.constant 0 : i32
        %sign3A_612 = arith.cmpi sgt, %jit3A_602, %sign3A_611 : i32
        %sign3A_613 = arith.extui %sign3A_612 : i1 to i32
        %sign3A_614 = arith.constant 0 : i32
        %sign3A_615 = arith.cmpi slt, %jit3A_602, %sign3A_614 : i32
        %sign3A_616 = arith.extui %sign3A_615 : i1 to i32
        %sign3A_617 = arith.subi %sign3A_613, %sign3A_616 : i32
        %ne3A_618 = arith.cmpi ne, %sign3A_610, %sign3A_617 : i32
        %rem3A_619 = arith.remsi %add3A_4, %jit3A_602 : i32
        %ne3A_620 = arith.constant 0 : i32
        %ne3A_621 = arith.cmpi ne, %rem3A_619, %ne3A_620 : i32
        %and3A_622 = arith.andi %ne3A_618, %ne3A_621 : i1
        %sub3A_623 = arith.constant 1 : i32
        %sub3A_624 = arith.subi %div3A_603, %sub3A_623 : i32
        %select_n3A_625 = arith.select %and3A_622, %sub3A_624, %div3A_603 : i32
        %jit3A_626 = arith.constant 1 : i32
        %eq3A_627 = arith.constant 0 : i32
        %eq3A_628 = arith.cmpi eq, %jit3A_626, %eq3A_627 : i32
        %jit3A_629 = arith.constant 1 : i32
        %select_n3A_630 = arith.select %eq3A_628, %jit3A_629, %jit3A_626 : i32
        %rem3A_631 = arith.remsi %sub3A_577, %select_n3A_630 : i32
        %ne3A_632 = arith.constant 0 : i32
        %ne3A_633 = arith.cmpi ne, %rem3A_631, %ne3A_632 : i32
        %lt3A_634 = arith.constant 0 : i32
        %lt3A_635 = arith.cmpi slt, %rem3A_631, %lt3A_634 : i32
        %lt3A_636 = arith.constant 0 : i32
        %lt3A_637 = arith.cmpi slt, %select_n3A_630, %lt3A_636 : i32
        %ne3A_638 = arith.xori %lt3A_635, %lt3A_637 : i1
        %and3A_639 = arith.andi %ne3A_638, %ne3A_633 : i1
        %add3A_640 = arith.addi %rem3A_631, %select_n3A_630 : i32
        %select_n3A_641 = arith.select %and3A_639, %add3A_640, %rem3A_631 : i32
        %mul3A_642 = arith.constant 32 : i32
        %mul3A_643 = arith.muli %select_n3A_641, %mul3A_642 : i32
        %jit3A_644 = arith.constant 8 : i32
        %eq3A_645 = arith.constant 0 : i32
        %eq3A_646 = arith.cmpi eq, %jit3A_644, %eq3A_645 : i32
        %jit3A_647 = arith.constant 1 : i32
        %select_n3A_648 = arith.select %eq3A_646, %jit3A_647, %jit3A_644 : i32
        %rem3A_649 = arith.remsi %add3A_4, %select_n3A_648 : i32
        %ne3A_650 = arith.constant 0 : i32
        %ne3A_651 = arith.cmpi ne, %rem3A_649, %ne3A_650 : i32
        %lt3A_652 = arith.constant 0 : i32
        %lt3A_653 = arith.cmpi slt, %rem3A_649, %lt3A_652 : i32
        %lt3A_654 = arith.constant 0 : i32
        %lt3A_655 = arith.cmpi slt, %select_n3A_648, %lt3A_654 : i32
        %ne3A_656 = arith.xori %lt3A_653, %lt3A_655 : i1
        %and3A_657 = arith.andi %ne3A_656, %ne3A_651 : i1
        %add3A_658 = arith.addi %rem3A_649, %select_n3A_648 : i32
        %select_n3A_659 = arith.select %and3A_657, %add3A_658, %rem3A_649 : i32
        %mul3A_660 = arith.constant 128 : i32
        %mul3A_661 = arith.muli %select_n3A_659, %mul3A_660 : i32
        %multiple_of3A_662 = tpu.assume_multiple %mul3A_661, 128 : i32
        %dma_wait3A_663 = arith.constant 0 : i32
        %dma_wait3A_664 = arith.constant 0 : i32
        %dma_wait3A_665 = arith.constant 0 : i32
        %dma_wait3A_666 = arith.constant 0 : i32
        %dma_wait3A_667 = tpu.memref_slice %arg7[%dma_wait3A_663, %dma_wait3A_665, %dma_wait3A_666] : memref<2x32x128xf32, #tpu.memory_space<vmem>> -> memref<1x32x128xf32, #tpu.memory_space<vmem>>
        %dma_wait3A_668 = tpu.memref_squeeze %dma_wait3A_667 : memref<1x32x128xf32, #tpu.memory_space<vmem>> -> memref<32x128xf32, #tpu.memory_space<vmem>>
        %dma_wait3A_669 = tpu.memref_slice %arg4[%select_n3A_601, %select_n3A_625, %mul3A_643, %multiple_of3A_662] : memref<50x8x32x1024xf32, #tpu.memory_space<hbm>> -> memref<1x1x32x128xf32, #tpu.memory_space<hbm>>
        %dma_wait3A_670 = tpu.memref_squeeze %dma_wait3A_669 : memref<1x1x32x128xf32, #tpu.memory_space<hbm>> -> memref<32x128xf32, #tpu.memory_space<hbm>>
        %dma_wait3A_671 = tpu.memref_slice %arg9[%dma_wait3A_664] : memref<2x!tpu.dma_semaphore, #tpu.memory_space<semaphore_mem>> -> memref<1x!tpu.dma_semaphore, #tpu.memory_space<semaphore_mem>>
        %dma_wait3A_672 = tpu.memref_squeeze %dma_wait3A_671 : memref<1x!tpu.dma_semaphore, #tpu.memory_space<semaphore_mem>> -> memref<!tpu.dma_semaphore, #tpu.memory_space<semaphore_mem>>
        %dma_wait3A_673 = tpu.memref_slice %arg4[%select_n3A_601, %select_n3A_625, %mul3A_643, %multiple_of3A_662] : memref<50x8x32x1024xf32, #tpu.memory_space<hbm>> -> memref<1x1x32x128xf32, #tpu.memory_space<hbm>>
        %dma_wait3A_674 = tpu.memref_squeeze %dma_wait3A_673 : memref<1x1x32x128xf32, #tpu.memory_space<hbm>> -> memref<32x128xf32, #tpu.memory_space<hbm>>
        %dma_wait3A_675 = arith.constant 0 : i32
        %dma_wait3A_676 = arith.constant 0 : i32
        %dma_wait3A_677 = tpu.memref_slice %arg7[%dma_wait3A_663, %dma_wait3A_675, %dma_wait3A_676] : memref<2x32x128xf32, #tpu.memory_space<vmem>> -> memref<1x32x128xf32, #tpu.memory_space<vmem>>
        %dma_wait3A_678 = tpu.memref_squeeze %dma_wait3A_677 : memref<1x32x128xf32, #tpu.memory_space<vmem>> -> memref<32x128xf32, #tpu.memory_space<vmem>>
        tpu.wait_dma2 semaphore(%dma_wait3A_672 : memref<!tpu.dma_semaphore, #tpu.memory_space<semaphore_mem>>) src(%dma_wait3A_678 : memref<32x128xf32, #tpu.memory_space<vmem>>) dst(%dma_wait3A_674 : memref<32x128xf32, #tpu.memory_space<hbm>>)
      } else {
      }
      %parallel_loop3A = arith.constant 0 : i32
      %parallel_loop3A_336 = arith.constant 4096 : i32
      %parallel_loop3A_337 = arith.constant 16 : i32
      scf.for %parallel_loop3A_576 = %parallel_loop3A to %parallel_loop3A_336 step %parallel_loop3A_337  : i32 {
        %parallel_loop3A_577 = arith.constant 0 : i32
        %parallel_loop3A_578 = arith.index_cast %parallel_loop3A_577 : i32 to index
        %parallel_loop3A_579 = arith.index_cast %parallel_loop3A_576 : i32 to index
        %parallel_loop3A_580 = tpu.vector_load %arg6[%parallel_loop3A_578, %parallel_loop3A_579] {strides = array<i32>} : memref<2x4096xi32, #tpu.memory_space<vmem>>, vector<16xi32>,
        %parallel_loop3A_581 = tpu.vector_load_idx %arg5[%parallel_loop3A_580] : memref<100000xf32, #tpu.memory_space<vmem>>[vector<16xi32>], vector<16xf32>,
        %parallel_loop3A_582 = arith.constant 128 : i32
        %parallel_loop3A_583 = arith.divsi %parallel_loop3A_576, %parallel_loop3A_582 : i32
        %parallel_loop3A_584 = arith.constant 0 : i32
        %parallel_loop3A_585 = arith.cmpi sgt, %parallel_loop3A_576, %parallel_loop3A_584 : i32
        %parallel_loop3A_586 = arith.extui %parallel_loop3A_585 : i1 to i32
        %parallel_loop3A_587 = arith.constant 0 : i32
        %parallel_loop3A_588 = arith.cmpi slt, %parallel_loop3A_576, %parallel_loop3A_587 : i32
        %parallel_loop3A_589 = arith.extui %parallel_loop3A_588 : i1 to i32
        %parallel_loop3A_590 = arith.subi %parallel_loop3A_586, %parallel_loop3A_589 : i32
        %parallel_loop3A_591 = arith.constant 0 : i32
        %parallel_loop3A_592 = arith.cmpi sgt, %parallel_loop3A_582, %parallel_loop3A_591 : i32
        %parallel_loop3A_593 = arith.extui %parallel_loop3A_592 : i1 to i32
        %parallel_loop3A_594 = arith.constant 0 : i32
        %parallel_loop3A_595 = arith.cmpi slt, %parallel_loop3A_582, %parallel_loop3A_594 : i32
        %parallel_loop3A_596 = arith.extui %parallel_loop3A_595 : i1 to i32
        %parallel_loop3A_597 = arith.subi %parallel_loop3A_593, %parallel_loop3A_596 : i32
        %parallel_loop3A_598 = arith.cmpi ne, %parallel_loop3A_590, %parallel_loop3A_597 : i32
        %parallel_loop3A_599 = arith.remsi %parallel_loop3A_576, %parallel_loop3A_582 : i32
        %parallel_loop3A_600 = arith.constant 0 : i32
        %parallel_loop3A_601 = arith.cmpi ne, %parallel_loop3A_599, %parallel_loop3A_600 : i32
        %parallel_loop3A_602 = arith.andi %parallel_loop3A_598, %parallel_loop3A_601 : i1
        %parallel_loop3A_603 = arith.constant 1 : i32
        %parallel_loop3A_604 = arith.subi %parallel_loop3A_583, %parallel_loop3A_603 : i32
        %parallel_loop3A_605 = arith.select %parallel_loop3A_602, %parallel_loop3A_604, %parallel_loop3A_583 : i32
        %parallel_loop3A_606 = arith.constant 128 : i32
        %parallel_loop3A_607 = arith.constant 0 : i32
        %parallel_loop3A_608 = arith.cmpi eq, %parallel_loop3A_606, %parallel_loop3A_607 : i32
        %parallel_loop3A_609 = arith.constant 1 : i32
        %parallel_loop3A_610 = arith.select %parallel_loop3A_608, %parallel_loop3A_609, %parallel_loop3A_606 : i32
        %parallel_loop3A_611 = arith.remsi %parallel_loop3A_576, %parallel_loop3A_610 : i32
        %parallel_loop3A_612 = arith.constant 0 : i32
        %parallel_loop3A_613 = arith.cmpi ne, %parallel_loop3A_611, %parallel_loop3A_612 : i32
        %parallel_loop3A_614 = arith.constant 0 : i32
        %parallel_loop3A_615 = arith.cmpi slt, %parallel_loop3A_611, %parallel_loop3A_614 : i32
        %parallel_loop3A_616 = arith.constant 0 : i32
        %parallel_loop3A_617 = arith.cmpi slt, %parallel_loop3A_610, %parallel_loop3A_616 : i32
        %parallel_loop3A_618 = arith.xori %parallel_loop3A_615, %parallel_loop3A_617 : i1
        %parallel_loop3A_619 = arith.andi %parallel_loop3A_618, %parallel_loop3A_613 : i1
        %parallel_loop3A_620 = arith.addi %parallel_loop3A_611, %parallel_loop3A_610 : i32
        %parallel_loop3A_621 = arith.select %parallel_loop3A_619, %parallel_loop3A_620, %parallel_loop3A_611 : i32
        %parallel_loop3A_622 = arith.constant 0 : i32
        %parallel_loop3A_623 = arith.index_cast %parallel_loop3A_622 : i32 to index
        %parallel_loop3A_624 = arith.index_cast %parallel_loop3A_605 : i32 to index
        %parallel_loop3A_625 = arith.index_cast %parallel_loop3A_621 : i32 to index
        %parallel_loop3A_626 = tpu.vector_load %arg7[%parallel_loop3A_623, %parallel_loop3A_624, %parallel_loop3A_625] {strides = array<i32>} : memref<2x32x128xf32, #tpu.memory_space<vmem>>, vector<16xf32>,
        tpu.vector_store %arg7[%parallel_loop3A_623, %parallel_loop3A_624, %parallel_loop3A_625], %parallel_loop3A_581 {strides = array<i32>} : memref<2x32x128xf32, #tpu.memory_space<vmem>>, vector<16xf32>,
      } {sc.loop_unroll_factor = 32 : i64, sc.parallel_access}
      %lt3A_338 = arith.constant 24 : i32
      %lt3A_339 = arith.cmpi slt, %scan3A_315, %lt3A_338 : i32
      %convert_element_type3A_340 = arith.extui %lt3A_339 : i1 to i32
      %cond3A_341 = arith.constant 0 : i32
      %cond3A_342 = arith.cmpi ne, %convert_element_type3A_340, %cond3A_341 : i32
      scf.if %cond3A_342 {
        %add3A_576 = arith.constant 2 : i32
        %add3A_577 = arith.addi %add3A_319, %add3A_576 : i32
        %mul3A_578 = arith.constant 4096 : i32
        %mul3A_579 = arith.muli %add3A_577, %mul3A_578 : i32
        %dma_start3A_580 = arith.constant 0 : i32
        %dma_start3A_581 = arith.constant 0 : i32
        %dma_start3A_582 = arith.constant 0 : i32
        %dma_start3A_583 = tpu.memref_slice %arg6[%dma_start3A_580, %dma_start3A_582] : memref<2x4096xi32, #tpu.memory_space<vmem>> -> memref<1x4096xi32, #tpu.memory_space<vmem>>
        %dma_start3A_584 = tpu.memref_squeeze %dma_start3A_583 : memref<1x4096xi32, #tpu.memory_space<vmem>> -> memref<4096xi32, #tpu.memory_space<vmem>>
        %dma_start3A_585 = tpu.memref_slice %arg2[%mul3A_579] : memref<204800xi32, #tpu.memory_space<hbm>> -> memref<4096xi32, #tpu.memory_space<hbm>>
        %dma_start3A_586 = tpu.memref_slice %arg8[%dma_start3A_581] : memref<2x!tpu.dma_semaphore, #tpu.memory_space<semaphore_mem>> -> memref<1x!tpu.dma_semaphore, #tpu.memory_space<semaphore_mem>>
        %dma_start3A_587 = tpu.memref_squeeze %dma_start3A_586 : memref<1x!tpu.dma_semaphore, #tpu.memory_space<semaphore_mem>> -> memref<!tpu.dma_semaphore, #tpu.memory_space<semaphore_mem>>
        %dma_start3A_588 = arith.constant 0 : i32
        %dma_start3A_589 = tpu.memref_slice %arg6[%dma_start3A_580, %dma_start3A_588] : memref<2x4096xi32, #tpu.memory_space<vmem>> -> memref<1x4096xi32, #tpu.memory_space<vmem>>
        %dma_start3A_590 = tpu.memref_squeeze %dma_start3A_589 : memref<1x4096xi32, #tpu.memory_space<vmem>> -> memref<4096xi32, #tpu.memory_space<vmem>>
        %dma_start3A_591 = tpu.memref_slice %arg2[%mul3A_579] : memref<204800xi32, #tpu.memory_space<hbm>> -> memref<4096xi32, #tpu.memory_space<hbm>>
        tpu.enqueue_dma source(%dma_start3A_591 : memref<4096xi32, #tpu.memory_space<hbm>>) target(%dma_start3A_590 : memref<4096xi32, #tpu.memory_space<vmem>>) target_semaphore(%dma_start3A_587 : memref<!tpu.dma_semaphore, #tpu.memory_space<semaphore_mem>>)
      } else {
      }
      %jit3A_343 = arith.constant 1 : i32
      %div3A_344 = arith.divsi %add3A_319, %jit3A_343 : i32
      %sign3A_345 = arith.constant 0 : i32
      %sign3A_346 = arith.cmpi sgt, %add3A_319, %sign3A_345 : i32
      %sign3A_347 = arith.extui %sign3A_346 : i1 to i32
      %sign3A_348 = arith.constant 0 : i32
      %sign3A_349 = arith.cmpi slt, %add3A_319, %sign3A_348 : i32
      %sign3A_350 = arith.extui %sign3A_349 : i1 to i32
      %sign3A_351 = arith.subi %sign3A_347, %sign3A_350 : i32
      %sign3A_352 = arith.constant 0 : i32
      %sign3A_353 = arith.cmpi sgt, %jit3A_343, %sign3A_352 : i32
      %sign3A_354 = arith.extui %sign3A_353 : i1 to i32
      %sign3A_355 = arith.constant 0 : i32
      %sign3A_356 = arith.cmpi slt, %jit3A_343, %sign3A_355 : i32
      %sign3A_357 = arith.extui %sign3A_356 : i1 to i32
      %sign3A_358 = arith.subi %sign3A_354, %sign3A_357 : i32
      %ne3A_359 = arith.cmpi ne, %sign3A_351, %sign3A_358 : i32
      %rem3A_360 = arith.remsi %add3A_319, %jit3A_343 : i32
      %ne3A_361 = arith.constant 0 : i32
      %ne3A_362 = arith.cmpi ne, %rem3A_360, %ne3A_361 : i32
      %and3A_363 = arith.andi %ne3A_359, %ne3A_362 : i1
      %sub3A_364 = arith.constant 1 : i32
      %sub3A_365 = arith.subi %div3A_344, %sub3A_364 : i32
      %select_n3A_366 = arith.select %and3A_363, %sub3A_365, %div3A_344 : i32
      %jit3A_367 = arith.constant 8 : i32
      %div3A_368 = arith.divsi %add3A_4, %jit3A_367 : i32
      %sign3A_369 = arith.constant 0 : i32
      %sign3A_370 = arith.cmpi sgt, %add3A_4, %sign3A_369 : i32
      %sign3A_371 = arith.extui %sign3A_370 : i1 to i32
      %sign3A_372 = arith.constant 0 : i32
      %sign3A_373 = arith.cmpi slt, %add3A_4, %sign3A_372 : i32
      %sign3A_374 = arith.extui %sign3A_373 : i1 to i32
      %sign3A_375 = arith.subi %sign3A_371, %sign3A_374 : i32
      %sign3A_376 = arith.constant 0 : i32
      %sign3A_377 = arith.cmpi sgt, %jit3A_367, %sign3A_376 : i32
      %sign3A_378 = arith.extui %sign3A_377 : i1 to i32
      %sign3A_379 = arith.constant 0 : i32
      %sign3A_380 = arith.cmpi slt, %jit3A_367, %sign3A_379 : i32
      %sign3A_381 = arith.extui %sign3A_380 : i1 to i32
      %sign3A_382 = arith.subi %sign3A_378, %sign3A_381 : i32
      %ne3A_383 = arith.cmpi ne, %sign3A_375, %sign3A_382 : i32
      %rem3A_384 = arith.remsi %add3A_4, %jit3A_367 : i32
      %ne3A_385 = arith.constant 0 : i32
      %ne3A_386 = arith.cmpi ne, %rem3A_384, %ne3A_385 : i32
      %and3A_387 = arith.andi %ne3A_383, %ne3A_386 : i1
      %sub3A_388 = arith.constant 1 : i32
      %sub3A_389 = arith.subi %div3A_368, %sub3A_388 : i32
      %select_n3A_390 = arith.select %and3A_387, %sub3A_389, %div3A_368 : i32
      %jit3A_391 = arith.constant 1 : i32
      %eq3A_392 = arith.constant 0 : i32
      %eq3A_393 = arith.cmpi eq, %jit3A_391, %eq3A_392 : i32
      %jit3A_394 = arith.constant 1 : i32
      %select_n3A_395 = arith.select %eq3A_393, %jit3A_394, %jit3A_391 : i32
      %rem3A_396 = arith.remsi %add3A_319, %select_n3A_395 : i32
      %ne3A_397 = arith.constant 0 : i32
      %ne3A_398 = arith.cmpi ne, %rem3A_396, %ne3A_397 : i32
      %lt3A_399 = arith.constant 0 : i32
      %lt3A_400 = arith.cmpi slt, %rem3A_396, %lt3A_399 : i32
      %lt3A_401 = arith.constant 0 : i32
      %lt3A_402 = arith.cmpi slt, %select_n3A_395, %lt3A_401 : i32
      %ne3A_403 = arith.xori %lt3A_400, %lt3A_402 : i1
      %and3A_404 = arith.andi %ne3A_403, %ne3A_398 : i1
      %add3A_405 = arith.addi %rem3A_396, %select_n3A_395 : i32
      %select_n3A_406 = arith.select %and3A_404, %add3A_405, %rem3A_396 : i32
      %mul3A_407 = arith.constant 32 : i32
      %mul3A_408 = arith.muli %select_n3A_406, %mul3A_407 : i32
      %jit3A_409 = arith.constant 8 : i32
      %eq3A_410 = arith.constant 0 : i32
      %eq3A_411 = arith.cmpi eq, %jit3A_409, %eq3A_410 : i32
      %jit3A_412 = arith.constant 1 : i32
      %select_n3A_413 = arith.select %eq3A_411, %jit3A_412, %jit3A_409 : i32
      %rem3A_414 = arith.remsi %add3A_4, %select_n3A_413 : i32
      %ne3A_415 = arith.constant 0 : i32
      %ne3A_416 = arith.cmpi ne, %rem3A_414, %ne3A_415 : i32
      %lt3A_417 = arith.constant 0 : i32
      %lt3A_418 = arith.cmpi slt, %rem3A_414, %lt3A_417 : i32
      %lt3A_419 = arith.constant 0 : i32
      %lt3A_420 = arith.cmpi slt, %select_n3A_413, %lt3A_419 : i32
      %ne3A_421 = arith.xori %lt3A_418, %lt3A_420 : i1
      %and3A_422 = arith.andi %ne3A_421, %ne3A_416 : i1
      %add3A_423 = arith.addi %rem3A_414, %select_n3A_413 : i32
      %select_n3A_424 = arith.select %and3A_422, %add3A_423, %rem3A_414 : i32
      %mul3A_425 = arith.constant 128 : i32
      %mul3A_426 = arith.muli %select_n3A_424, %mul3A_425 : i32
      %multiple_of3A_427 = tpu.assume_multiple %mul3A_426, 128 : i32
      %dma_start3A_428 = arith.constant 0 : i32
      %dma_start3A_429 = arith.constant 0 : i32
      %dma_start3A_430 = arith.constant 0 : i32
      %dma_start3A_431 = arith.constant 0 : i32
      %dma_start3A_432 = tpu.memref_slice %arg7[%dma_start3A_428, %dma_start3A_430, %dma_start3A_431] : memref<2x32x128xf32, #tpu.memory_space<vmem>> -> memref<1x32x128xf32, #tpu.memory_space<vmem>>
      %dma_start3A_433 = tpu.memref_squeeze %dma_start3A_432 : memref<1x32x128xf32, #tpu.memory_space<vmem>> -> memref<32x128xf32, #tpu.memory_space<vmem>>
      %dma_start3A_434 = tpu.memref_slice %arg4[%select_n3A_366, %select_n3A_390, %mul3A_408, %multiple_of3A_427] : memref<50x8x32x1024xf32, #tpu.memory_space<hbm>> -> memref<1x1x32x128xf32, #tpu.memory_space<hbm>>
      %dma_start3A_435 = tpu.memref_squeeze %dma_start3A_434 : memref<1x1x32x128xf32, #tpu.memory_space<hbm>> -> memref<32x128xf32, #tpu.memory_space<hbm>>
      %dma_start3A_436 = tpu.memref_slice %arg9[%dma_start3A_429] : memref<2x!tpu.dma_semaphore, #tpu.memory_space<semaphore_mem>> -> memref<1x!tpu.dma_semaphore, #tpu.memory_space<semaphore_mem>>
      %dma_start3A_437 = tpu.memref_squeeze %dma_start3A_436 : memref<1x!tpu.dma_semaphore, #tpu.memory_space<semaphore_mem>> -> memref<!tpu.dma_semaphore, #tpu.memory_space<semaphore_mem>>
      %dma_start3A_438 = tpu.memref_slice %arg4[%select_n3A_366, %select_n3A_390, %mul3A_408, %multiple_of3A_427] : memref<50x8x32x1024xf32, #tpu.memory_space<hbm>> -> memref<1x1x32x128xf32, #tpu.memory_space<hbm>>
      %dma_start3A_439 = tpu.memref_squeeze %dma_start3A_438 : memref<1x1x32x128xf32, #tpu.memory_space<hbm>> -> memref<32x128xf32, #tpu.memory_space<hbm>>
      %dma_start3A_440 = arith.constant 0 : i32
      %dma_start3A_441 = arith.constant 0 : i32
      %dma_start3A_442 = tpu.memref_slice %arg7[%dma_start3A_428, %dma_start3A_440, %dma_start3A_441] : memref<2x32x128xf32, #tpu.memory_space<vmem>> -> memref<1x32x128xf32, #tpu.memory_space<vmem>>
      %dma_start3A_443 = tpu.memref_squeeze %dma_start3A_442 : memref<1x32x128xf32, #tpu.memory_space<vmem>> -> memref<32x128xf32, #tpu.memory_space<vmem>>
      tpu.enqueue_dma source(%dma_start3A_443 : memref<32x128xf32, #tpu.memory_space<vmem>>) target(%dma_start3A_439 : memref<32x128xf32, #tpu.memory_space<hbm>>) target_semaphore(%dma_start3A_437 : memref<!tpu.dma_semaphore, #tpu.memory_space<semaphore_mem>>)
      %mul3A_444 = arith.constant 2 : i32
      %mul3A_445 = arith.muli %scan3A_315, %mul3A_444 : i32
      %add3A_446 = arith.constant 1 : i32
      %add3A_447 = arith.addi %mul3A_445, %add3A_446 : i32
      %dma_wait3A_448 = arith.constant 1 : i32
      %dma_wait3A_449 = arith.constant 1 : i32
      %dma_wait3A_450 = arith.constant 0 : i32
      %dma_wait3A_451 = tpu.memref_slice %arg6[%dma_wait3A_448, %dma_wait3A_450] : memref<2x4096xi32, #tpu.memory_space<vmem>> -> memref<1x4096xi32, #tpu.memory_space<vmem>>
      %dma_wait3A_452 = tpu.memref_squeeze %dma_wait3A_451 : memref<1x4096xi32, #tpu.memory_space<vmem>> -> memref<4096xi32, #tpu.memory_space<vmem>>
      %dma_wait3A_453 = arith.constant 0 : i32
      %dma_wait3A_454 = tpu.memref_slice %arg2[%dma_wait3A_453] : memref<204800xi32, #tpu.memory_space<hbm>> -> memref<4096xi32, #tpu.memory_space<hbm>>
      %dma_wait3A_455 = tpu.memref_slice %arg8[%dma_wait3A_449] : memref<2x!tpu.dma_semaphore, #tpu.memory_space<semaphore_mem>> -> memref<1x!tpu.dma_semaphore, #tpu.memory_space<semaphore_mem>>
      %dma_wait3A_456 = tpu.memref_squeeze %dma_wait3A_455 : memref<1x!tpu.dma_semaphore, #tpu.memory_space<semaphore_mem>> -> memref<!tpu.dma_semaphore, #tpu.memory_space<semaphore_mem>>
      %dma_wait3A_457 = arith.constant 0 : i32
      %dma_wait3A_458 = tpu.memref_slice %arg6[%dma_wait3A_448, %dma_wait3A_457] : memref<2x4096xi32, #tpu.memory_space<vmem>> -> memref<1x4096xi32, #tpu.memory_space<vmem>>
      %dma_wait3A_459 = tpu.memref_squeeze %dma_wait3A_458 : memref<1x4096xi32, #tpu.memory_space<vmem>> -> memref<4096xi32, #tpu.memory_space<vmem>>
      %dma_wait3A_460 = arith.constant 0 : i32
      %dma_wait3A_461 = tpu.memref_slice %arg2[%dma_wait3A_460] : memref<204800xi32, #tpu.memory_space<hbm>> -> memref<4096xi32, #tpu.memory_space<hbm>>
      tpu.wait_dma2 semaphore(%dma_wait3A_456 : memref<!tpu.dma_semaphore, #tpu.memory_space<semaphore_mem>>) src(%dma_wait3A_461 : memref<4096xi32, #tpu.memory_space<hbm>>) dst(%dma_wait3A_459 : memref<4096xi32, #tpu.memory_space<vmem>>)
      %gt3A_462 = arith.constant 0 : i32
      %gt3A_463 = arith.cmpi sgt, %scan3A_315, %gt3A_462 : i32
      %convert_element_type3A_464 = arith.extui %gt3A_463 : i1 to i32
      %cond3A_465 = arith.constant 0 : i32
      %cond3A_466 = arith.cmpi ne, %convert_element_type3A_464, %cond3A_465 : i32
      scf.if %cond3A_466 {
        %sub3A_576 = arith.constant 2 : i32
        %sub3A_577 = arith.subi %add3A_447, %sub3A_576 : i32
        %jit3A_578 = arith.constant 1 : i32
        %div3A_579 = arith.divsi %sub3A_577, %jit3A_578 : i32
        %sign3A_580 = arith.constant 0 : i32
        %sign3A_581 = arith.cmpi sgt, %sub3A_577, %sign3A_580 : i32
        %sign3A_582 = arith.extui %sign3A_581 : i1 to i32
        %sign3A_583 = arith.constant 0 : i32
        %sign3A_584 = arith.cmpi slt, %sub3A_577, %sign3A_583 : i32
        %sign3A_585 = arith.extui %sign3A_584 : i1 to i32
        %sign3A_586 = arith.subi %sign3A_582, %sign3A_585 : i32
        %sign3A_587 = arith.constant 0 : i32
        %sign3A_588 = arith.cmpi sgt, %jit3A_578, %sign3A_587 : i32
        %sign3A_589 = arith.extui %sign3A_588 : i1 to i32
        %sign3A_590 = arith.constant 0 : i32
        %sign3A_591 = arith.cmpi slt, %jit3A_578, %sign3A_590 : i32
        %sign3A_592 = arith.extui %sign3A_591 : i1 to i32
        %sign3A_593 = arith.subi %sign3A_589, %sign3A_592 : i32
        %ne3A_594 = arith.cmpi ne, %sign3A_586, %sign3A_593 : i32
        %rem3A_595 = arith.remsi %sub3A_577, %jit3A_578 : i32
        %ne3A_596 = arith.constant 0 : i32
        %ne3A_597 = arith.cmpi ne, %rem3A_595, %ne3A_596 : i32
        %and3A_598 = arith.andi %ne3A_594, %ne3A_597 : i1
        %sub3A_599 = arith.constant 1 : i32
        %sub3A_600 = arith.subi %div3A_579, %sub3A_599 : i32
        %select_n3A_601 = arith.select %and3A_598, %sub3A_600, %div3A_579 : i32
        %jit3A_602 = arith.constant 8 : i32
        %div3A_603 = arith.divsi %add3A_4, %jit3A_602 : i32
        %sign3A_604 = arith.constant 0 : i32
        %sign3A_605 = arith.cmpi sgt, %add3A_4, %sign3A_604 : i32
        %sign3A_606 = arith.extui %sign3A_605 : i1 to i32
        %sign3A_607 = arith.constant 0 : i32
        %sign3A_608 = arith.cmpi slt, %add3A_4, %sign3A_607 : i32
        %sign3A_609 = arith.extui %sign3A_608 : i1 to i32
        %sign3A_610 = arith.subi %sign3A_606, %sign3A_609 : i32
        %sign3A_611 = arith.constant 0 : i32
        %sign3A_612 = arith.cmpi sgt, %jit3A_602, %sign3A_611 : i32
        %sign3A_613 = arith.extui %sign3A_612 : i1 to i32
        %sign3A_614 = arith.constant 0 : i32
        %sign3A_615 = arith.cmpi slt, %jit3A_602, %sign3A_614 : i32
        %sign3A_616 = arith.extui %sign3A_615 : i1 to i32
        %sign3A_617 = arith.subi %sign3A_613, %sign3A_616 : i32
        %ne3A_618 = arith.cmpi ne, %sign3A_610, %sign3A_617 : i32
        %rem3A_619 = arith.remsi %add3A_4, %jit3A_602 : i32
        %ne3A_620 = arith.constant 0 : i32
        %ne3A_621 = arith.cmpi ne, %rem3A_619, %ne3A_620 : i32
        %and3A_622 = arith.andi %ne3A_618, %ne3A_621 : i1
        %sub3A_623 = arith.constant 1 : i32
        %sub3A_624 = arith.subi %div3A_603, %sub3A_623 : i32
        %select_n3A_625 = arith.select %and3A_622, %sub3A_624, %div3A_603 : i32
        %jit3A_626 = arith.constant 1 : i32
        %eq3A_627 = arith.constant 0 : i32
        %eq3A_628 = arith.cmpi eq, %jit3A_626, %eq3A_627 : i32
        %jit3A_629 = arith.constant 1 : i32
        %select_n3A_630 = arith.select %eq3A_628, %jit3A_629, %jit3A_626 : i32
        %rem3A_631 = arith.remsi %sub3A_577, %select_n3A_630 : i32
        %ne3A_632 = arith.constant 0 : i32
        %ne3A_633 = arith.cmpi ne, %rem3A_631, %ne3A_632 : i32
        %lt3A_634 = arith.constant 0 : i32
        %lt3A_635 = arith.cmpi slt, %rem3A_631, %lt3A_634 : i32
        %lt3A_636 = arith.constant 0 : i32
        %lt3A_637 = arith.cmpi slt, %select_n3A_630, %lt3A_636 : i32
        %ne3A_638 = arith.xori %lt3A_635, %lt3A_637 : i1
        %and3A_639 = arith.andi %ne3A_638, %ne3A_633 : i1
        %add3A_640 = arith.addi %rem3A_631, %select_n3A_630 : i32
        %select_n3A_641 = arith.select %and3A_639, %add3A_640, %rem3A_631 : i32
        %mul3A_642 = arith.constant 32 : i32
        %mul3A_643 = arith.muli %select_n3A_641, %mul3A_642 : i32
        %jit3A_644 = arith.constant 8 : i32
        %eq3A_645 = arith.constant 0 : i32
        %eq3A_646 = arith.cmpi eq, %jit3A_644, %eq3A_645 : i32
        %jit3A_647 = arith.constant 1 : i32
        %select_n3A_648 = arith.select %eq3A_646, %jit3A_647, %jit3A_644 : i32
        %rem3A_649 = arith.remsi %add3A_4, %select_n3A_648 : i32
        %ne3A_650 = arith.constant 0 : i32
        %ne3A_651 = arith.cmpi ne, %rem3A_649, %ne3A_650 : i32
        %lt3A_652 = arith.constant 0 : i32
        %lt3A_653 = arith.cmpi slt, %rem3A_649, %lt3A_652 : i32
        %lt3A_654 = arith.constant 0 : i32
        %lt3A_655 = arith.cmpi slt, %select_n3A_648, %lt3A_654 : i32
        %ne3A_656 = arith.xori %lt3A_653, %lt3A_655 : i1
        %and3A_657 = arith.andi %ne3A_656, %ne3A_651 : i1
        %add3A_658 = arith.addi %rem3A_649, %select_n3A_648 : i32
        %select_n3A_659 = arith.select %and3A_657, %add3A_658, %rem3A_649 : i32
        %mul3A_660 = arith.constant 128 : i32
        %mul3A_661 = arith.muli %select_n3A_659, %mul3A_660 : i32
        %multiple_of3A_662 = tpu.assume_multiple %mul3A_661, 128 : i32
        %dma_wait3A_663 = arith.constant 1 : i32
        %dma_wait3A_664 = arith.constant 1 : i32
        %dma_wait3A_665 = arith.constant 0 : i32
        %dma_wait3A_666 = arith.constant 0 : i32
        %dma_wait3A_667 = tpu.memref_slice %arg7[%dma_wait3A_663, %dma_wait3A_665, %dma_wait3A_666] : memref<2x32x128xf32, #tpu.memory_space<vmem>> -> memref<1x32x128xf32, #tpu.memory_space<vmem>>
        %dma_wait3A_668 = tpu.memref_squeeze %dma_wait3A_667 : memref<1x32x128xf32, #tpu.memory_space<vmem>> -> memref<32x128xf32, #tpu.memory_space<vmem>>
        %dma_wait3A_669 = tpu.memref_slice %arg4[%select_n3A_601, %select_n3A_625, %mul3A_643, %multiple_of3A_662] : memref<50x8x32x1024xf32, #tpu.memory_space<hbm>> -> memref<1x1x32x128xf32, #tpu.memory_space<hbm>>
        %dma_wait3A_670 = tpu.memref_squeeze %dma_wait3A_669 : memref<1x1x32x128xf32, #tpu.memory_space<hbm>> -> memref<32x128xf32, #tpu.memory_space<hbm>>
        %dma_wait3A_671 = tpu.memref_slice %arg9[%dma_wait3A_664] : memref<2x!tpu.dma_semaphore, #tpu.memory_space<semaphore_mem>> -> memref<1x!tpu.dma_semaphore, #tpu.memory_space<semaphore_mem>>
        %dma_wait3A_672 = tpu.memref_squeeze %dma_wait3A_671 : memref<1x!tpu.dma_semaphore, #tpu.memory_space<semaphore_mem>> -> memref<!tpu.dma_semaphore, #tpu.memory_space<semaphore_mem>>
        %dma_wait3A_673 = tpu.memref_slice %arg4[%select_n3A_601, %select_n3A_625, %mul3A_643, %multiple_of3A_662] : memref<50x8x32x1024xf32, #tpu.memory_space<hbm>> -> memref<1x1x32x128xf32, #tpu.memory_space<hbm>>
        %dma_wait3A_674 = tpu.memref_squeeze %dma_wait3A_673 : memref<1x1x32x128xf32, #tpu.memory_space<hbm>> -> memref<32x128xf32, #tpu.memory_space<hbm>>
        %dma_wait3A_675 = arith.constant 0 : i32
        %dma_wait3A_676 = arith.constant 0 : i32
        %dma_wait3A_677 = tpu.memref_slice %arg7[%dma_wait3A_663, %dma_wait3A_675, %dma_wait3A_676] : memref<2x32x128xf32, #tpu.memory_space<vmem>> -> memref<1x32x128xf32, #tpu.memory_space<vmem>>
        %dma_wait3A_678 = tpu.memref_squeeze %dma_wait3A_677 : memref<1x32x128xf32, #tpu.memory_space<vmem>> -> memref<32x128xf32, #tpu.memory_space<vmem>>
        tpu.wait_dma2 semaphore(%dma_wait3A_672 : memref<!tpu.dma_semaphore, #tpu.memory_space<semaphore_mem>>) src(%dma_wait3A_678 : memref<32x128xf32, #tpu.memory_space<vmem>>) dst(%dma_wait3A_674 : memref<32x128xf32, #tpu.memory_space<hbm>>)
      } else {
      }
      %parallel_loop3A_467 = arith.constant 0 : i32
      %parallel_loop3A_468 = arith.constant 4096 : i32
      %parallel_loop3A_469 = arith.constant 16 : i32
      scf.for %parallel_loop3A_576 = %parallel_loop3A_467 to %parallel_loop3A_468 step %parallel_loop3A_469  : i32 {
        %parallel_loop3A_577 = arith.constant 1 : i32
        %parallel_loop3A_578 = arith.index_cast %parallel_loop3A_577 : i32 to index
        %parallel_loop3A_579 = arith.index_cast %parallel_loop3A_576 : i32 to index
        %parallel_loop3A_580 = tpu.vector_load %arg6[%parallel_loop3A_578, %parallel_loop3A_579] {strides = array<i32>} : memref<2x4096xi32, #tpu.memory_space<vmem>>, vector<16xi32>,
        %parallel_loop3A_581 = tpu.vector_load_idx %arg5[%parallel_loop3A_580] : memref<100000xf32, #tpu.memory_space<vmem>>[vector<16xi32>], vector<16xf32>,
        %parallel_loop3A_582 = arith.constant 128 : i32
        %parallel_loop3A_583 = arith.divsi %parallel_loop3A_576, %parallel_loop3A_582 : i32
        %parallel_loop3A_584 = arith.constant 0 : i32
        %parallel_loop3A_585 = arith.cmpi sgt, %parallel_loop3A_576, %parallel_loop3A_584 : i32
        %parallel_loop3A_586 = arith.extui %parallel_loop3A_585 : i1 to i32
        %parallel_loop3A_587 = arith.constant 0 : i32
        %parallel_loop3A_588 = arith.cmpi slt, %parallel_loop3A_576, %parallel_loop3A_587 : i32
        %parallel_loop3A_589 = arith.extui %parallel_loop3A_588 : i1 to i32
        %parallel_loop3A_590 = arith.subi %parallel_loop3A_586, %parallel_loop3A_589 : i32
        %parallel_loop3A_591 = arith.constant 0 : i32
        %parallel_loop3A_592 = arith.cmpi sgt, %parallel_loop3A_582, %parallel_loop3A_591 : i32
        %parallel_loop3A_593 = arith.extui %parallel_loop3A_592 : i1 to i32
        %parallel_loop3A_594 = arith.constant 0 : i32
        %parallel_loop3A_595 = arith.cmpi slt, %parallel_loop3A_582, %parallel_loop3A_594 : i32
        %parallel_loop3A_596 = arith.extui %parallel_loop3A_595 : i1 to i32
        %parallel_loop3A_597 = arith.subi %parallel_loop3A_593, %parallel_loop3A_596 : i32
        %parallel_loop3A_598 = arith.cmpi ne, %parallel_loop3A_590, %parallel_loop3A_597 : i32
        %parallel_loop3A_599 = arith.remsi %parallel_loop3A_576, %parallel_loop3A_582 : i32
        %parallel_loop3A_600 = arith.constant 0 : i32
        %parallel_loop3A_601 = arith.cmpi ne, %parallel_loop3A_599, %parallel_loop3A_600 : i32
        %parallel_loop3A_602 = arith.andi %parallel_loop3A_598, %parallel_loop3A_601 : i1
        %parallel_loop3A_603 = arith.constant 1 : i32
        %parallel_loop3A_604 = arith.subi %parallel_loop3A_583, %parallel_loop3A_603 : i32
        %parallel_loop3A_605 = arith.select %parallel_loop3A_602, %parallel_loop3A_604, %parallel_loop3A_583 : i32
        %parallel_loop3A_606 = arith.constant 128 : i32
        %parallel_loop3A_607 = arith.constant 0 : i32
        %parallel_loop3A_608 = arith.cmpi eq, %parallel_loop3A_606, %parallel_loop3A_607 : i32
        %parallel_loop3A_609 = arith.constant 1 : i32
        %parallel_loop3A_610 = arith.select %parallel_loop3A_608, %parallel_loop3A_609, %parallel_loop3A_606 : i32
        %parallel_loop3A_611 = arith.remsi %parallel_loop3A_576, %parallel_loop3A_610 : i32
        %parallel_loop3A_612 = arith.constant 0 : i32
        %parallel_loop3A_613 = arith.cmpi ne, %parallel_loop3A_611, %parallel_loop3A_612 : i32
        %parallel_loop3A_614 = arith.constant 0 : i32
        %parallel_loop3A_615 = arith.cmpi slt, %parallel_loop3A_611, %parallel_loop3A_614 : i32
        %parallel_loop3A_616 = arith.constant 0 : i32
        %parallel_loop3A_617 = arith.cmpi slt, %parallel_loop3A_610, %parallel_loop3A_616 : i32
        %parallel_loop3A_618 = arith.xori %parallel_loop3A_615, %parallel_loop3A_617 : i1
        %parallel_loop3A_619 = arith.andi %parallel_loop3A_618, %parallel_loop3A_613 : i1
        %parallel_loop3A_620 = arith.addi %parallel_loop3A_611, %parallel_loop3A_610 : i32
        %parallel_loop3A_621 = arith.select %parallel_loop3A_619, %parallel_loop3A_620, %parallel_loop3A_611 : i32
        %parallel_loop3A_622 = arith.constant 1 : i32
        %parallel_loop3A_623 = arith.index_cast %parallel_loop3A_622 : i32 to index
        %parallel_loop3A_624 = arith.index_cast %parallel_loop3A_605 : i32 to index
        %parallel_loop3A_625 = arith.index_cast %parallel_loop3A_621 : i32 to index
        %parallel_loop3A_626 = tpu.vector_load %arg7[%parallel_loop3A_623, %parallel_loop3A_624, %parallel_loop3A_625] {strides = array<i32>} : memref<2x32x128xf32, #tpu.memory_space<vmem>>, vector<16xf32>,
        tpu.vector_store %arg7[%parallel_loop3A_623, %parallel_loop3A_624, %parallel_loop3A_625], %parallel_loop3A_581 {strides = array<i32>} : memref<2x32x128xf32, #tpu.memory_space<vmem>>, vector<16xf32>,
      } {sc.loop_unroll_factor = 32 : i64, sc.parallel_access}
      %lt3A_470 = arith.constant 24 : i32
      %lt3A_471 = arith.cmpi slt, %scan3A_315, %lt3A_470 : i32
      %convert_element_type3A_472 = arith.extui %lt3A_471 : i1 to i32
      %cond3A_473 = arith.constant 0 : i32
      %cond3A_474 = arith.cmpi ne, %convert_element_type3A_472, %cond3A_473 : i32
      scf.if %cond3A_474 {
        %add3A_576 = arith.constant 2 : i32
        %add3A_577 = arith.addi %add3A_447, %add3A_576 : i32
        %mul3A_578 = arith.constant 4096 : i32
        %mul3A_579 = arith.muli %add3A_577, %mul3A_578 : i32
        %dma_start3A_580 = arith.constant 1 : i32
        %dma_start3A_581 = arith.constant 1 : i32
        %dma_start3A_582 = arith.constant 0 : i32
        %dma_start3A_583 = tpu.memref_slice %arg6[%dma_start3A_580, %dma_start3A_582] : memref<2x4096xi32, #tpu.memory_space<vmem>> -> memref<1x4096xi32, #tpu.memory_space<vmem>>
        %dma_start3A_584 = tpu.memref_squeeze %dma_start3A_583 : memref<1x4096xi32, #tpu.memory_space<vmem>> -> memref<4096xi32, #tpu.memory_space<vmem>>
        %dma_start3A_585 = tpu.memref_slice %arg2[%mul3A_579] : memref<204800xi32, #tpu.memory_space<hbm>> -> memref<4096xi32, #tpu.memory_space<hbm>>
        %dma_start3A_586 = tpu.memref_slice %arg8[%dma_start3A_581] : memref<2x!tpu.dma_semaphore, #tpu.memory_space<semaphore_mem>> -> memref<1x!tpu.dma_semaphore, #tpu.memory_space<semaphore_mem>>
        %dma_start3A_587 = tpu.memref_squeeze %dma_start3A_586 : memref<1x!tpu.dma_semaphore, #tpu.memory_space<semaphore_mem>> -> memref<!tpu.dma_semaphore, #tpu.memory_space<semaphore_mem>>
        %dma_start3A_588 = arith.constant 0 : i32
        %dma_start3A_589 = tpu.memref_slice %arg6[%dma_start3A_580, %dma_start3A_588] : memref<2x4096xi32, #tpu.memory_space<vmem>> -> memref<1x4096xi32, #tpu.memory_space<vmem>>
        %dma_start3A_590 = tpu.memref_squeeze %dma_start3A_589 : memref<1x4096xi32, #tpu.memory_space<vmem>> -> memref<4096xi32, #tpu.memory_space<vmem>>
        %dma_start3A_591 = tpu.memref_slice %arg2[%mul3A_579] : memref<204800xi32, #tpu.memory_space<hbm>> -> memref<4096xi32, #tpu.memory_space<hbm>>
        tpu.enqueue_dma source(%dma_start3A_591 : memref<4096xi32, #tpu.memory_space<hbm>>) target(%dma_start3A_590 : memref<4096xi32, #tpu.memory_space<vmem>>) target_semaphore(%dma_start3A_587 : memref<!tpu.dma_semaphore, #tpu.memory_space<semaphore_mem>>)
      } else {
      }
      %jit3A_475 = arith.constant 1 : i32
      %div3A_476 = arith.divsi %add3A_447, %jit3A_475 : i32
      %sign3A_477 = arith.constant 0 : i32
      %sign3A_478 = arith.cmpi sgt, %add3A_447, %sign3A_477 : i32
      %sign3A_479 = arith.extui %sign3A_478 : i1 to i32
      %sign3A_480 = arith.constant 0 : i32
      %sign3A_481 = arith.cmpi slt, %add3A_447, %sign3A_480 : i32
      %sign3A_482 = arith.extui %sign3A_481 : i1 to i32
      %sign3A_483 = arith.subi %sign3A_479, %sign3A_482 : i32
      %sign3A_484 = arith.constant 0 : i32
      %sign3A_485 = arith.cmpi sgt, %jit3A_475, %sign3A_484 : i32
      %sign3A_486 = arith.extui %sign3A_485 : i1 to i32
      %sign3A_487 = arith.constant 0 : i32
      %sign3A_488 = arith.cmpi slt, %jit3A_475, %sign3A_487 : i32
      %sign3A_489 = arith.extui %sign3A_488 : i1 to i32
      %sign3A_490 = arith.subi %sign3A_486, %sign3A_489 : i32
      %ne3A_491 = arith.cmpi ne, %sign3A_483, %sign3A_490 : i32
      %rem3A_492 = arith.remsi %add3A_447, %jit3A_475 : i32
      %ne3A_493 = arith.constant 0 : i32
      %ne3A_494 = arith.cmpi ne, %rem3A_492, %ne3A_493 : i32
      %and3A_495 = arith.andi %ne3A_491, %ne3A_494 : i1
      %sub3A_496 = arith.constant 1 : i32
      %sub3A_497 = arith.subi %div3A_476, %sub3A_496 : i32
      %select_n3A_498 = arith.select %and3A_495, %sub3A_497, %div3A_476 : i32
      %jit3A_499 = arith.constant 8 : i32
      %div3A_500 = arith.divsi %add3A_4, %jit3A_499 : i32
      %sign3A_501 = arith.constant 0 : i32
      %sign3A_502 = arith.cmpi sgt, %add3A_4, %sign3A_501 : i32
      %sign3A_503 = arith.extui %sign3A_502 : i1 to i32
      %sign3A_504 = arith.constant 0 : i32
      %sign3A_505 = arith.cmpi slt, %add3A_4, %sign3A_504 : i32
      %sign3A_506 = arith.extui %sign3A_505 : i1 to i32
      %sign3A_507 = arith.subi %sign3A_503, %sign3A_506 : i32
      %sign3A_508 = arith.constant 0 : i32
      %sign3A_509 = arith.cmpi sgt, %jit3A_499, %sign3A_508 : i32
      %sign3A_510 = arith.extui %sign3A_509 : i1 to i32
      %sign3A_511 = arith.constant 0 : i32
      %sign3A_512 = arith.cmpi slt, %jit3A_499, %sign3A_511 : i32
      %sign3A_513 = arith.extui %sign3A_512 : i1 to i32
      %sign3A_514 = arith.subi %sign3A_510, %sign3A_513 : i32
      %ne3A_515 = arith.cmpi ne, %sign3A_507, %sign3A_514 : i32
      %rem3A_516 = arith.remsi %add3A_4, %jit3A_499 : i32
      %ne3A_517 = arith.constant 0 : i32
      %ne3A_518 = arith.cmpi ne, %rem3A_516, %ne3A_517 : i32
      %and3A_519 = arith.andi %ne3A_515, %ne3A_518 : i1
      %sub3A_520 = arith.constant 1 : i32
      %sub3A_521 = arith.subi %div3A_500, %sub3A_520 : i32
      %select_n3A_522 = arith.select %and3A_519, %sub3A_521, %div3A_500 : i32
      %jit3A_523 = arith.constant 1 : i32
      %eq3A_524 = arith.constant 0 : i32
      %eq3A_525 = arith.cmpi eq, %jit3A_523, %eq3A_524 : i32
      %jit3A_526 = arith.constant 1 : i32
      %select_n3A_527 = arith.select %eq3A_525, %jit3A_526, %jit3A_523 : i32
      %rem3A_528 = arith.remsi %add3A_447, %select_n3A_527 : i32
      %ne3A_529 = arith.constant 0 : i32
      %ne3A_530 = arith.cmpi ne, %rem3A_528, %ne3A_529 : i32
      %lt3A_531 = arith.constant 0 : i32
      %lt3A_532 = arith.cmpi slt, %rem3A_528, %lt3A_531 : i32
      %lt3A_533 = arith.constant 0 : i32
      %lt3A_534 = arith.cmpi slt, %select_n3A_527, %lt3A_533 : i32
      %ne3A_535 = arith.xori %lt3A_532, %lt3A_534 : i1
      %and3A_536 = arith.andi %ne3A_535, %ne3A_530 : i1
      %add3A_537 = arith.addi %rem3A_528, %select_n3A_527 : i32
      %select_n3A_538 = arith.select %and3A_536, %add3A_537, %rem3A_528 : i32
      %mul3A_539 = arith.constant 32 : i32
      %mul3A_540 = arith.muli %select_n3A_538, %mul3A_539 : i32
      %jit3A_541 = arith.constant 8 : i32
      %eq3A_542 = arith.constant 0 : i32
      %eq3A_543 = arith.cmpi eq, %jit3A_541, %eq3A_542 : i32
      %jit3A_544 = arith.constant 1 : i32
      %select_n3A_545 = arith.select %eq3A_543, %jit3A_544, %jit3A_541 : i32
      %rem3A_546 = arith.remsi %add3A_4, %select_n3A_545 : i32
      %ne3A_547 = arith.constant 0 : i32
      %ne3A_548 = arith.cmpi ne, %rem3A_546, %ne3A_547 : i32
      %lt3A_549 = arith.constant 0 : i32
      %lt3A_550 = arith.cmpi slt, %rem3A_546, %lt3A_549 : i32
      %lt3A_551 = arith.constant 0 : i32
      %lt3A_552 = arith.cmpi slt, %select_n3A_545, %lt3A_551 : i32
      %ne3A_553 = arith.xori %lt3A_550, %lt3A_552 : i1
      %and3A_554 = arith.andi %ne3A_553, %ne3A_548 : i1
      %add3A_555 = arith.addi %rem3A_546, %select_n3A_545 : i32
      %select_n3A_556 = arith.select %and3A_554, %add3A_555, %rem3A_546 : i32
      %mul3A_557 = arith.constant 128 : i32
      %mul3A_558 = arith.muli %select_n3A_556, %mul3A_557 : i32
      %multiple_of3A_559 = tpu.assume_multiple %mul3A_558, 128 : i32
      %dma_start3A_560 = arith.constant 1 : i32
      %dma_start3A_561 = arith.constant 1 : i32
      %dma_start3A_562 = arith.constant 0 : i32
      %dma_start3A_563 = arith.constant 0 : i32
      %dma_start3A_564 = tpu.memref_slice %arg7[%dma_start3A_560, %dma_start3A_562, %dma_start3A_563] : memref<2x32x128xf32, #tpu.memory_space<vmem>> -> memref<1x32x128xf32, #tpu.memory_space<vmem>>
      %dma_start3A_565 = tpu.memref_squeeze %dma_start3A_564 : memref<1x32x128xf32, #tpu.memory_space<vmem>> -> memref<32x128xf32, #tpu.memory_space<vmem>>
      %dma_start3A_566 = tpu.memref_slice %arg4[%select_n3A_498, %select_n3A_522, %mul3A_540, %multiple_of3A_559] : memref<50x8x32x1024xf32, #tpu.memory_space<hbm>> -> memref<1x1x32x128xf32, #tpu.memory_space<hbm>>
      %dma_start3A_567 = tpu.memref_squeeze %dma_start3A_566 : memref<1x1x32x128xf32, #tpu.memory_space<hbm>> -> memref<32x128xf32, #tpu.memory_space<hbm>>
      %dma_start3A_568 = tpu.memref_slice %arg9[%dma_start3A_561] : memref<2x!tpu.dma_semaphore, #tpu.memory_space<semaphore_mem>> -> memref<1x!tpu.dma_semaphore, #tpu.memory_space<semaphore_mem>>
      %dma_start3A_569 = tpu.memref_squeeze %dma_start3A_568 : memref<1x!tpu.dma_semaphore, #tpu.memory_space<semaphore_mem>> -> memref<!tpu.dma_semaphore, #tpu.memory_space<semaphore_mem>>
      %dma_start3A_570 = tpu.memref_slice %arg4[%select_n3A_498, %select_n3A_522, %mul3A_540, %multiple_of3A_559] : memref<50x8x32x1024xf32, #tpu.memory_space<hbm>> -> memref<1x1x32x128xf32, #tpu.memory_space<hbm>>
      %dma_start3A_571 = tpu.memref_squeeze %dma_start3A_570 : memref<1x1x32x128xf32, #tpu.memory_space<hbm>> -> memref<32x128xf32, #tpu.memory_space<hbm>>
      %dma_start3A_572 = arith.constant 0 : i32
      %dma_start3A_573 = arith.constant 0 : i32
      %dma_start3A_574 = tpu.memref_slice %arg7[%dma_start3A_560, %dma_start3A_572, %dma_start3A_573] : memref<2x32x128xf32, #tpu.memory_space<vmem>> -> memref<1x32x128xf32, #tpu.memory_space<vmem>>
      %dma_start3A_575 = tpu.memref_squeeze %dma_start3A_574 : memref<1x32x128xf32, #tpu.memory_space<vmem>> -> memref<32x128xf32, #tpu.memory_space<vmem>>
      tpu.enqueue_dma source(%dma_start3A_575 : memref<32x128xf32, #tpu.memory_space<vmem>>) target(%dma_start3A_571 : memref<32x128xf32, #tpu.memory_space<hbm>>) target_semaphore(%dma_start3A_569 : memref<!tpu.dma_semaphore, #tpu.memory_space<semaphore_mem>>)
    }
    %scan3A_38 = arith.constant 25 : i32
    %jit3A = arith.constant 8 : i32
    %div3A = arith.divsi %add3A_4, %jit3A : i32
    %sign3A = arith.constant 0 : i32
    %sign3A_39 = arith.cmpi sgt, %add3A_4, %sign3A : i32
    %sign3A_40 = arith.extui %sign3A_39 : i1 to i32
    %sign3A_41 = arith.constant 0 : i32
    %sign3A_42 = arith.cmpi slt, %add3A_4, %sign3A_41 : i32
    %sign3A_43 = arith.extui %sign3A_42 : i1 to i32
    %sign3A_44 = arith.subi %sign3A_40, %sign3A_43 : i32
    %sign3A_45 = arith.constant 0 : i32
    %sign3A_46 = arith.cmpi sgt, %jit3A, %sign3A_45 : i32
    %sign3A_47 = arith.extui %sign3A_46 : i1 to i32
    %sign3A_48 = arith.constant 0 : i32
    %sign3A_49 = arith.cmpi slt, %jit3A, %sign3A_48 : i32
    %sign3A_50 = arith.extui %sign3A_49 : i1 to i32
    %sign3A_51 = arith.subi %sign3A_47, %sign3A_50 : i32
    %ne3A = arith.cmpi ne, %sign3A_44, %sign3A_51 : i32
    %rem3A = arith.remsi %add3A_4, %jit3A : i32
    %ne3A_52 = arith.constant 0 : i32
    %ne3A_53 = arith.cmpi ne, %rem3A, %ne3A_52 : i32
    %and3A = arith.andi %ne3A, %ne3A_53 : i1
    %sub3A = arith.constant 1 : i32
    %sub3A_54 = arith.subi %div3A, %sub3A : i32
    %select_n3A = arith.select %and3A, %sub3A_54, %div3A : i32
    %jit3A_55 = arith.constant 8 : i32
    %eq3A = arith.constant 0 : i32
    %eq3A_56 = arith.cmpi eq, %jit3A_55, %eq3A : i32
    %jit3A_57 = arith.constant 1 : i32
    %select_n3A_58 = arith.select %eq3A_56, %jit3A_57, %jit3A_55 : i32
    %rem3A_59 = arith.remsi %add3A_4, %select_n3A_58 : i32
    %ne3A_60 = arith.constant 0 : i32
    %ne3A_61 = arith.cmpi ne, %rem3A_59, %ne3A_60 : i32
    %lt3A = arith.constant 0 : i32
    %lt3A_62 = arith.cmpi slt, %rem3A_59, %lt3A : i32
    %lt3A_63 = arith.constant 0 : i32
    %lt3A_64 = arith.cmpi slt, %select_n3A_58, %lt3A_63 : i32
    %ne3A_65 = arith.xori %lt3A_62, %lt3A_64 : i1
    %and3A_66 = arith.andi %ne3A_65, %ne3A_61 : i1
    %add3A_67 = arith.addi %rem3A_59, %select_n3A_58 : i32
    %select_n3A_68 = arith.select %and3A_66, %add3A_67, %rem3A_59 : i32
    %mul3A_69 = arith.constant 128 : i32
    %mul3A_70 = arith.muli %select_n3A_68, %mul3A_69 : i32
    %multiple_of3A = tpu.assume_multiple %mul3A_70, 128 : i32
    %dma_wait3A = arith.constant 0 : i32
    %dma_wait3A_71 = arith.constant 48 : i32
    %dma_wait3A_72 = arith.constant 0 : i32
    %dma_wait3A_73 = arith.constant 0 : i32
    %dma_wait3A_74 = arith.constant 0 : i32
    %dma_wait3A_75 = tpu.memref_slice %arg7[%dma_wait3A, %dma_wait3A_73, %dma_wait3A_74] : memref<2x32x128xf32, #tpu.memory_space<vmem>> -> memref<1x32x128xf32, #tpu.memory_space<vmem>>
    %dma_wait3A_76 = tpu.memref_squeeze %dma_wait3A_75 : memref<1x32x128xf32, #tpu.memory_space<vmem>> -> memref<32x128xf32, #tpu.memory_space<vmem>>
    %dma_wait3A_77 = arith.constant 0 : i32
    %dma_wait3A_78 = tpu.memref_slice %arg4[%dma_wait3A_71, %select_n3A, %dma_wait3A_77, %multiple_of3A] : memref<50x8x32x1024xf32, #tpu.memory_space<hbm>> -> memref<1x1x32x128xf32, #tpu.memory_space<hbm>>
    %dma_wait3A_79 = tpu.memref_squeeze %dma_wait3A_78 : memref<1x1x32x128xf32, #tpu.memory_space<hbm>> -> memref<32x128xf32, #tpu.memory_space<hbm>>
    %dma_wait3A_80 = tpu.memref_slice %arg9[%dma_wait3A_72] : memref<2x!tpu.dma_semaphore, #tpu.memory_space<semaphore_mem>> -> memref<1x!tpu.dma_semaphore, #tpu.memory_space<semaphore_mem>>
    %dma_wait3A_81 = tpu.memref_squeeze %dma_wait3A_80 : memref<1x!tpu.dma_semaphore, #tpu.memory_space<semaphore_mem>> -> memref<!tpu.dma_semaphore, #tpu.memory_space<semaphore_mem>>
    %dma_wait3A_82 = arith.constant 0 : i32
    %dma_wait3A_83 = tpu.memref_slice %arg4[%dma_wait3A_71, %select_n3A, %dma_wait3A_82, %multiple_of3A] : memref<50x8x32x1024xf32, #tpu.memory_space<hbm>> -> memref<1x1x32x128xf32, #tpu.memory_space<hbm>>
    %dma_wait3A_84 = tpu.memref_squeeze %dma_wait3A_83 : memref<1x1x32x128xf32, #tpu.memory_space<hbm>> -> memref<32x128xf32, #tpu.memory_space<hbm>>
    %dma_wait3A_85 = arith.constant 0 : i32
    %dma_wait3A_86 = arith.constant 0 : i32
    %dma_wait3A_87 = tpu.memref_slice %arg7[%dma_wait3A, %dma_wait3A_85, %dma_wait3A_86] : memref<2x32x128xf32, #tpu.memory_space<vmem>> -> memref<1x32x128xf32, #tpu.memory_space<vmem>>
    %dma_wait3A_88 = tpu.memref_squeeze %dma_wait3A_87 : memref<1x32x128xf32, #tpu.memory_space<vmem>> -> memref<32x128xf32, #tpu.memory_space<vmem>>
    tpu.wait_dma2 semaphore(%dma_wait3A_81 : memref<!tpu.dma_semaphore, #tpu.memory_space<semaphore_mem>>) src(%dma_wait3A_88 : memref<32x128xf32, #tpu.memory_space<vmem>>) dst(%dma_wait3A_84 : memref<32x128xf32, #tpu.memory_space<hbm>>)
    %jit3A_89 = arith.constant 8 : i32
    %div3A_90 = arith.divsi %add3A_4, %jit3A_89 : i32
    %sign3A_91 = arith.constant 0 : i32
    %sign3A_92 = arith.cmpi sgt, %add3A_4, %sign3A_91 : i32
    %sign3A_93 = arith.extui %sign3A_92 : i1 to i32
    %sign3A_94 = arith.constant 0 : i32
    %sign3A_95 = arith.cmpi slt, %add3A_4, %sign3A_94 : i32
    %sign3A_96 = arith.extui %sign3A_95 : i1 to i32
    %sign3A_97 = arith.subi %sign3A_93, %sign3A_96 : i32
    %sign3A_98 = arith.constant 0 : i32
    %sign3A_99 = arith.cmpi sgt, %jit3A_89, %sign3A_98 : i32
    %sign3A_100 = arith.extui %sign3A_99 : i1 to i32
    %sign3A_101 = arith.constant 0 : i32
    %sign3A_102 = arith.cmpi slt, %jit3A_89, %sign3A_101 : i32
    %sign3A_103 = arith.extui %sign3A_102 : i1 to i32
    %sign3A_104 = arith.subi %sign3A_100, %sign3A_103 : i32
    %ne3A_105 = arith.cmpi ne, %sign3A_97, %sign3A_104 : i32
    %rem3A_106 = arith.remsi %add3A_4, %jit3A_89 : i32
    %ne3A_107 = arith.constant 0 : i32
    %ne3A_108 = arith.cmpi ne, %rem3A_106, %ne3A_107 : i32
    %and3A_109 = arith.andi %ne3A_105, %ne3A_108 : i1
    %sub3A_110 = arith.constant 1 : i32
    %sub3A_111 = arith.subi %div3A_90, %sub3A_110 : i32
    %select_n3A_112 = arith.select %and3A_109, %sub3A_111, %div3A_90 : i32
    %jit3A_113 = arith.constant 8 : i32
    %eq3A_114 = arith.constant 0 : i32
    %eq3A_115 = arith.cmpi eq, %jit3A_113, %eq3A_114 : i32
    %jit3A_116 = arith.constant 1 : i32
    %select_n3A_117 = arith.select %eq3A_115, %jit3A_116, %jit3A_113 : i32
    %rem3A_118 = arith.remsi %add3A_4, %select_n3A_117 : i32
    %ne3A_119 = arith.constant 0 : i32
    %ne3A_120 = arith.cmpi ne, %rem3A_118, %ne3A_119 : i32
    %lt3A_121 = arith.constant 0 : i32
    %lt3A_122 = arith.cmpi slt, %rem3A_118, %lt3A_121 : i32
    %lt3A_123 = arith.constant 0 : i32
    %lt3A_124 = arith.cmpi slt, %select_n3A_117, %lt3A_123 : i32
    %ne3A_125 = arith.xori %lt3A_122, %lt3A_124 : i1
    %and3A_126 = arith.andi %ne3A_125, %ne3A_120 : i1
    %add3A_127 = arith.addi %rem3A_118, %select_n3A_117 : i32
    %select_n3A_128 = arith.select %and3A_126, %add3A_127, %rem3A_118 : i32
    %mul3A_129 = arith.constant 128 : i32
    %mul3A_130 = arith.muli %select_n3A_128, %mul3A_129 : i32
    %multiple_of3A_131 = tpu.assume_multiple %mul3A_130, 128 : i32
    %dma_wait3A_132 = arith.constant 1 : i32
    %dma_wait3A_133 = arith.constant 49 : i32
    %dma_wait3A_134 = arith.constant 1 : i32
    %dma_wait3A_135 = arith.constant 0 : i32
    %dma_wait3A_136 = arith.constant 0 : i32
    %dma_wait3A_137 = tpu.memref_slice %arg7[%dma_wait3A_132, %dma_wait3A_135, %dma_wait3A_136] : memref<2x32x128xf32, #tpu.memory_space<vmem>> -> memref<1x32x128xf32, #tpu.memory_space<vmem>>
    %dma_wait3A_138 = tpu.memref_squeeze %dma_wait3A_137 : memref<1x32x128xf32, #tpu.memory_space<vmem>> -> memref<32x128xf32, #tpu.memory_space<vmem>>
    %dma_wait3A_139 = arith.constant 0 : i32
    %dma_wait3A_140 = tpu.memref_slice %arg4[%dma_wait3A_133, %select_n3A_112, %dma_wait3A_139, %multiple_of3A_131] : memref<50x8x32x1024xf32, #tpu.memory_space<hbm>> -> memref<1x1x32x128xf32, #tpu.memory_space<hbm>>
    %dma_wait3A_141 = tpu.memref_squeeze %dma_wait3A_140 : memref<1x1x32x128xf32, #tpu.memory_space<hbm>> -> memref<32x128xf32, #tpu.memory_space<hbm>>
    %dma_wait3A_142 = tpu.memref_slice %arg9[%dma_wait3A_134] : memref<2x!tpu.dma_semaphore, #tpu.memory_space<semaphore_mem>> -> memref<1x!tpu.dma_semaphore, #tpu.memory_space<semaphore_mem>>
    %dma_wait3A_143 = tpu.memref_squeeze %dma_wait3A_142 : memref<1x!tpu.dma_semaphore, #tpu.memory_space<semaphore_mem>> -> memref<!tpu.dma_semaphore, #tpu.memory_space<semaphore_mem>>
    %dma_wait3A_144 = arith.constant 0 : i32
    %dma_wait3A_145 = tpu.memref_slice %arg4[%dma_wait3A_133, %select_n3A_112, %dma_wait3A_144, %multiple_of3A_131] : memref<50x8x32x1024xf32, #tpu.memory_space<hbm>> -> memref<1x1x32x128xf32, #tpu.memory_space<hbm>>
    %dma_wait3A_146 = tpu.memref_squeeze %dma_wait3A_145 : memref<1x1x32x128xf32, #tpu.memory_space<hbm>> -> memref<32x128xf32, #tpu.memory_space<hbm>>
    %dma_wait3A_147 = arith.constant 0 : i32
    %dma_wait3A_148 = arith.constant 0 : i32
    %dma_wait3A_149 = tpu.memref_slice %arg7[%dma_wait3A_132, %dma_wait3A_147, %dma_wait3A_148] : memref<2x32x128xf32, #tpu.memory_space<vmem>> -> memref<1x32x128xf32, #tpu.memory_space<vmem>>
    %dma_wait3A_150 = tpu.memref_squeeze %dma_wait3A_149 : memref<1x32x128xf32, #tpu.memory_space<vmem>> -> memref<32x128xf32, #tpu.memory_space<vmem>>
    tpu.wait_dma2 semaphore(%dma_wait3A_143 : memref<!tpu.dma_semaphore, #tpu.memory_space<semaphore_mem>>) src(%dma_wait3A_150 : memref<32x128xf32, #tpu.memory_space<vmem>>) dst(%dma_wait3A_146 : memref<32x128xf32, #tpu.memory_space<hbm>>)
    %mul3A_151 = arith.constant 2 : i32
    %mul3A_152 = arith.muli %add3A, %mul3A_151 : i32
    %add3A_153 = arith.constant 1 : i32
    %add3A_154 = arith.addi %mul3A_152, %add3A_153 : i32
    %mul3A_155 = arith.constant 100000 : i32
    %mul3A_156 = arith.muli %add3A_154, %mul3A_155 : i32
    "tpu.region"() ({
      %run_scoped3A = tpu.sem_alloc : memref<!tpu.dma_semaphore, #tpu.memory_space<semaphore_mem>>
      %dma_start3A_315 = tpu.memref_slice %arg3[%mul3A_156] : memref<6400000xf32, #tpu.memory_space<hbm>> -> memref<100000xf32, #tpu.memory_space<hbm>>
      %dma_start3A_316 = tpu.memref_slice %arg3[%mul3A_156] : memref<6400000xf32, #tpu.memory_space<hbm>> -> memref<100000xf32, #tpu.memory_space<hbm>>
      tpu.enqueue_dma source(%dma_start3A_316 : memref<100000xf32, #tpu.memory_space<hbm>>) target(%arg5 : memref<100000xf32, #tpu.memory_space<vmem>>) target_semaphore(%run_scoped3A : memref<!tpu.dma_semaphore, #tpu.memory_space<semaphore_mem>>)
      %dma_wait3A_317 = tpu.memref_slice %arg3[%mul3A_156] : memref<6400000xf32, #tpu.memory_space<hbm>> -> memref<100000xf32, #tpu.memory_space<hbm>>
      %dma_wait3A_318 = tpu.memref_slice %arg3[%mul3A_156] : memref<6400000xf32, #tpu.memory_space<hbm>> -> memref<100000xf32, #tpu.memory_space<hbm>>
      tpu.wait_dma2 semaphore(%run_scoped3A : memref<!tpu.dma_semaphore, #tpu.memory_space<semaphore_mem>>) src(%dma_wait3A_318 : memref<100000xf32, #tpu.memory_space<hbm>>) dst(%arg5 : memref<100000xf32, #tpu.memory_space<vmem>>)
      tpu.yield
    }) : () -> ()
    %dma_start3A_157 = arith.constant 0 : i32
    %dma_start3A_158 = arith.constant 0 : i32
    %dma_start3A_159 = arith.constant 0 : i32
    %dma_start3A_160 = tpu.memref_slice %arg6[%dma_start3A_157, %dma_start3A_159] : memref<2x4096xi32, #tpu.memory_space<vmem>> -> memref<1x4096xi32, #tpu.memory_space<vmem>>
    %dma_start3A_161 = tpu.memref_squeeze %dma_start3A_160 : memref<1x4096xi32, #tpu.memory_space<vmem>> -> memref<4096xi32, #tpu.memory_space<vmem>>
    %dma_start3A_162 = arith.constant 0 : i32
    %dma_start3A_163 = tpu.memref_slice %arg2[%dma_start3A_162] : memref<204800xi32, #tpu.memory_space<hbm>> -> memref<4096xi32, #tpu.memory_space<hbm>>
    %dma_start3A_164 = tpu.memref_slice %arg8[%dma_start3A_158] : memref<2x!tpu.dma_semaphore, #tpu.memory_space<semaphore_mem>> -> memref<1x!tpu.dma_semaphore, #tpu.memory_space<semaphore_mem>>
    %dma_start3A_165 = tpu.memref_squeeze %dma_start3A_164 : memref<1x!tpu.dma_semaphore, #tpu.memory_space<semaphore_mem>> -> memref<!tpu.dma_semaphore, #tpu.memory_space<semaphore_mem>>
    %dma_start3A_166 = arith.constant 0 : i32
    %dma_start3A_167 = tpu.memref_slice %arg6[%dma_start3A_157, %dma_start3A_166] : memref<2x4096xi32, #tpu.memory_space<vmem>> -> memref<1x4096xi32, #tpu.memory_space<vmem>>
    %dma_start3A_168 = tpu.memref_squeeze %dma_start3A_167 : memref<1x4096xi32, #tpu.memory_space<vmem>> -> memref<4096xi32, #tpu.memory_space<vmem>>
    %dma_start3A_169 = arith.constant 0 : i32
    %dma_start3A_170 = tpu.memref_slice %arg2[%dma_start3A_169] : memref<204800xi32, #tpu.memory_space<hbm>> -> memref<4096xi32, #tpu.memory_space<hbm>>
    tpu.enqueue_dma source(%dma_start3A_170 : memref<4096xi32, #tpu.memory_space<hbm>>) target(%dma_start3A_168 : memref<4096xi32, #tpu.memory_space<vmem>>) target_semaphore(%dma_start3A_165 : memref<!tpu.dma_semaphore, #tpu.memory_space<semaphore_mem>>)
    %dma_start3A_171 = arith.constant 1 : i32
    %dma_start3A_172 = arith.constant 1 : i32
    %dma_start3A_173 = arith.constant 0 : i32
    %dma_start3A_174 = tpu.memref_slice %arg6[%dma_start3A_171, %dma_start3A_173] : memref<2x4096xi32, #tpu.memory_space<vmem>> -> memref<1x4096xi32, #tpu.memory_space<vmem>>
    %dma_start3A_175 = tpu.memref_squeeze %dma_start3A_174 : memref<1x4096xi32, #tpu.memory_space<vmem>> -> memref<4096xi32, #tpu.memory_space<vmem>>
    %dma_start3A_176 = arith.constant 4096 : i32
    %dma_start3A_177 = tpu.memref_slice %arg2[%dma_start3A_176] : memref<204800xi32, #tpu.memory_space<hbm>> -> memref<4096xi32, #tpu.memory_space<hbm>>
    %dma_start3A_178 = tpu.memref_slice %arg8[%dma_start3A_172] : memref<2x!tpu.dma_semaphore, #tpu.memory_space<semaphore_mem>> -> memref<1x!tpu.dma_semaphore, #tpu.memory_space<semaphore_mem>>
    %dma_start3A_179 = tpu.memref_squeeze %dma_start3A_178 : memref<1x!tpu.dma_semaphore, #tpu.memory_space<semaphore_mem>> -> memref<!tpu.dma_semaphore, #tpu.memory_space<semaphore_mem>>
    %dma_start3A_180 = arith.constant 0 : i32
    %dma_start3A_181 = tpu.memref_slice %arg6[%dma_start3A_171, %dma_start3A_180] : memref<2x4096xi32, #tpu.memory_space<vmem>> -> memref<1x4096xi32, #tpu.memory_space<vmem>>
    %dma_start3A_182 = tpu.memref_squeeze %dma_start3A_181 : memref<1x4096xi32, #tpu.memory_space<vmem>> -> memref<4096xi32, #tpu.memory_space<vmem>>
    %dma_start3A_183 = arith.constant 4096 : i32
    %dma_start3A_184 = tpu.memref_slice %arg2[%dma_start3A_183] : memref<204800xi32, #tpu.memory_space<hbm>> -> memref<4096xi32, #tpu.memory_space<hbm>>
    tpu.enqueue_dma source(%dma_start3A_184 : memref<4096xi32, #tpu.memory_space<hbm>>) target(%dma_start3A_182 : memref<4096xi32, #tpu.memory_space<vmem>>) target_semaphore(%dma_start3A_179 : memref<!tpu.dma_semaphore, #tpu.memory_space<semaphore_mem>>)
    %scan3A_185 = arith.constant 0 : i32
    %scan3A_186 = arith.constant 0 : i32
    %scan3A_187 = arith.constant 25 : i32
    %scan3A_188 = arith.addi %scan3A_186, %scan3A_187 : i32
    %scan3A_189 = arith.constant 1 : i32
    scf.for %scan3A_315 = %scan3A_186 to %scan3A_188 step %scan3A_189  : i32 {
      %mul3A_316 = arith.constant 2 : i32
      %mul3A_317 = arith.muli %scan3A_315, %mul3A_316 : i32
      %add3A_318 = arith.constant 0 : i32
      %add3A_319 = arith.addi %mul3A_317, %add3A_318 : i32
      %dma_wait3A_320 = arith.constant 0 : i32
      %dma_wait3A_321 = arith.constant 0 : i32
      %dma_wait3A_322 = arith.constant 0 : i32
      %dma_wait3A_323 = tpu.memref_slice %arg6[%dma_wait3A_320, %dma_wait3A_322] : memref<2x4096xi32, #tpu.memory_space<vmem>> -> memref<1x4096xi32, #tpu.memory_space<vmem>>
      %dma_wait3A_324 = tpu.memref_squeeze %dma_wait3A_323 : memref<1x4096xi32, #tpu.memory_space<vmem>> -> memref<4096xi32, #tpu.memory_space<vmem>>
      %dma_wait3A_325 = arith.constant 0 : i32
      %dma_wait3A_326 = tpu.memref_slice %arg2[%dma_wait3A_325] : memref<204800xi32, #tpu.memory_space<hbm>> -> memref<4096xi32, #tpu.memory_space<hbm>>
      %dma_wait3A_327 = tpu.memref_slice %arg8[%dma_wait3A_321] : memref<2x!tpu.dma_semaphore, #tpu.memory_space<semaphore_mem>> -> memref<1x!tpu.dma_semaphore, #tpu.memory_space<semaphore_mem>>
      %dma_wait3A_328 = tpu.memref_squeeze %dma_wait3A_327 : memref<1x!tpu.dma_semaphore, #tpu.memory_space<semaphore_mem>> -> memref<!tpu.dma_semaphore, #tpu.memory_space<semaphore_mem>>
      %dma_wait3A_329 = arith.constant 0 : i32
      %dma_wait3A_330 = tpu.memref_slice %arg6[%dma_wait3A_320, %dma_wait3A_329] : memref<2x4096xi32, #tpu.memory_space<vmem>> -> memref<1x4096xi32, #tpu.memory_space<vmem>>
      %dma_wait3A_331 = tpu.memref_squeeze %dma_wait3A_330 : memref<1x4096xi32, #tpu.memory_space<vmem>> -> memref<4096xi32, #tpu.memory_space<vmem>>
      %dma_wait3A_332 = arith.constant 0 : i32
      %dma_wait3A_333 = tpu.memref_slice %arg2[%dma_wait3A_332] : memref<204800xi32, #tpu.memory_space<hbm>> -> memref<4096xi32, #tpu.memory_space<hbm>>
      tpu.wait_dma2 semaphore(%dma_wait3A_328 : memref<!tpu.dma_semaphore, #tpu.memory_space<semaphore_mem>>) src(%dma_wait3A_333 : memref<4096xi32, #tpu.memory_space<hbm>>) dst(%dma_wait3A_331 : memref<4096xi32, #tpu.memory_space<vmem>>)
      %gt3A = arith.constant 0 : i32
      %gt3A_334 = arith.cmpi sgt, %scan3A_315, %gt3A : i32
      %convert_element_type3A = arith.extui %gt3A_334 : i1 to i32
      %cond3A = arith.constant 0 : i32
      %cond3A_335 = arith.cmpi ne, %convert_element_type3A, %cond3A : i32
      scf.if %cond3A_335 {
        %sub3A_576 = arith.constant 2 : i32
        %sub3A_577 = arith.subi %add3A_319, %sub3A_576 : i32
        %jit3A_578 = arith.constant 1 : i32
        %div3A_579 = arith.divsi %sub3A_577, %jit3A_578 : i32
        %sign3A_580 = arith.constant 0 : i32
        %sign3A_581 = arith.cmpi sgt, %sub3A_577, %sign3A_580 : i32
        %sign3A_582 = arith.extui %sign3A_581 : i1 to i32
        %sign3A_583 = arith.constant 0 : i32
        %sign3A_584 = arith.cmpi slt, %sub3A_577, %sign3A_583 : i32
        %sign3A_585 = arith.extui %sign3A_584 : i1 to i32
        %sign3A_586 = arith.subi %sign3A_582, %sign3A_585 : i32
        %sign3A_587 = arith.constant 0 : i32
        %sign3A_588 = arith.cmpi sgt, %jit3A_578, %sign3A_587 : i32
        %sign3A_589 = arith.extui %sign3A_588 : i1 to i32
        %sign3A_590 = arith.constant 0 : i32
        %sign3A_591 = arith.cmpi slt, %jit3A_578, %sign3A_590 : i32
        %sign3A_592 = arith.extui %sign3A_591 : i1 to i32
        %sign3A_593 = arith.subi %sign3A_589, %sign3A_592 : i32
        %ne3A_594 = arith.cmpi ne, %sign3A_586, %sign3A_593 : i32
        %rem3A_595 = arith.remsi %sub3A_577, %jit3A_578 : i32
        %ne3A_596 = arith.constant 0 : i32
        %ne3A_597 = arith.cmpi ne, %rem3A_595, %ne3A_596 : i32
        %and3A_598 = arith.andi %ne3A_594, %ne3A_597 : i1
        %sub3A_599 = arith.constant 1 : i32
        %sub3A_600 = arith.subi %div3A_579, %sub3A_599 : i32
        %select_n3A_601 = arith.select %and3A_598, %sub3A_600, %div3A_579 : i32
        %jit3A_602 = arith.constant 8 : i32
        %div3A_603 = arith.divsi %add3A_154, %jit3A_602 : i32
        %sign3A_604 = arith.constant 0 : i32
        %sign3A_605 = arith.cmpi sgt, %add3A_154, %sign3A_604 : i32
        %sign3A_606 = arith.extui %sign3A_605 : i1 to i32
        %sign3A_607 = arith.constant 0 : i32
        %sign3A_608 = arith.cmpi slt, %add3A_154, %sign3A_607 : i32
        %sign3A_609 = arith.extui %sign3A_608 : i1 to i32
        %sign3A_610 = arith.subi %sign3A_606, %sign3A_609 : i32
        %sign3A_611 = arith.constant 0 : i32
        %sign3A_612 = arith.cmpi sgt, %jit3A_602, %sign3A_611 : i32
        %sign3A_613 = arith.extui %sign3A_612 : i1 to i32
        %sign3A_614 = arith.constant 0 : i32
        %sign3A_615 = arith.cmpi slt, %jit3A_602, %sign3A_614 : i32
        %sign3A_616 = arith.extui %sign3A_615 : i1 to i32
        %sign3A_617 = arith.subi %sign3A_613, %sign3A_616 : i32
        %ne3A_618 = arith.cmpi ne, %sign3A_610, %sign3A_617 : i32
        %rem3A_619 = arith.remsi %add3A_154, %jit3A_602 : i32
        %ne3A_620 = arith.constant 0 : i32
        %ne3A_621 = arith.cmpi ne, %rem3A_619, %ne3A_620 : i32
        %and3A_622 = arith.andi %ne3A_618, %ne3A_621 : i1
        %sub3A_623 = arith.constant 1 : i32
        %sub3A_624 = arith.subi %div3A_603, %sub3A_623 : i32
        %select_n3A_625 = arith.select %and3A_622, %sub3A_624, %div3A_603 : i32
        %jit3A_626 = arith.constant 1 : i32
        %eq3A_627 = arith.constant 0 : i32
        %eq3A_628 = arith.cmpi eq, %jit3A_626, %eq3A_627 : i32
        %jit3A_629 = arith.constant 1 : i32
        %select_n3A_630 = arith.select %eq3A_628, %jit3A_629, %jit3A_626 : i32
        %rem3A_631 = arith.remsi %sub3A_577, %select_n3A_630 : i32
        %ne3A_632 = arith.constant 0 : i32
        %ne3A_633 = arith.cmpi ne, %rem3A_631, %ne3A_632 : i32
        %lt3A_634 = arith.constant 0 : i32
        %lt3A_635 = arith.cmpi slt, %rem3A_631, %lt3A_634 : i32
        %lt3A_636 = arith.constant 0 : i32
        %lt3A_637 = arith.cmpi slt, %select_n3A_630, %lt3A_636 : i32
        %ne3A_638 = arith.xori %lt3A_635, %lt3A_637 : i1
        %and3A_639 = arith.andi %ne3A_638, %ne3A_633 : i1
        %add3A_640 = arith.addi %rem3A_631, %select_n3A_630 : i32
        %select_n3A_641 = arith.select %and3A_639, %add3A_640, %rem3A_631 : i32
        %mul3A_642 = arith.constant 32 : i32
        %mul3A_643 = arith.muli %select_n3A_641, %mul3A_642 : i32
        %jit3A_644 = arith.constant 8 : i32
        %eq3A_645 = arith.constant 0 : i32
        %eq3A_646 = arith.cmpi eq, %jit3A_644, %eq3A_645 : i32
        %jit3A_647 = arith.constant 1 : i32
        %select_n3A_648 = arith.select %eq3A_646, %jit3A_647, %jit3A_644 : i32
        %rem3A_649 = arith.remsi %add3A_154, %select_n3A_648 : i32
        %ne3A_650 = arith.constant 0 : i32
        %ne3A_651 = arith.cmpi ne, %rem3A_649, %ne3A_650 : i32
        %lt3A_652 = arith.constant 0 : i32
        %lt3A_653 = arith.cmpi slt, %rem3A_649, %lt3A_652 : i32
        %lt3A_654 = arith.constant 0 : i32
        %lt3A_655 = arith.cmpi slt, %select_n3A_648, %lt3A_654 : i32
        %ne3A_656 = arith.xori %lt3A_653, %lt3A_655 : i1
        %and3A_657 = arith.andi %ne3A_656, %ne3A_651 : i1
        %add3A_658 = arith.addi %rem3A_649, %select_n3A_648 : i32
        %select_n3A_659 = arith.select %and3A_657, %add3A_658, %rem3A_649 : i32
        %mul3A_660 = arith.constant 128 : i32
        %mul3A_661 = arith.muli %select_n3A_659, %mul3A_660 : i32
        %multiple_of3A_662 = tpu.assume_multiple %mul3A_661, 128 : i32
        %dma_wait3A_663 = arith.constant 0 : i32
        %dma_wait3A_664 = arith.constant 0 : i32
        %dma_wait3A_665 = arith.constant 0 : i32
        %dma_wait3A_666 = arith.constant 0 : i32
        %dma_wait3A_667 = tpu.memref_slice %arg7[%dma_wait3A_663, %dma_wait3A_665, %dma_wait3A_666] : memref<2x32x128xf32, #tpu.memory_space<vmem>> -> memref<1x32x128xf32, #tpu.memory_space<vmem>>
        %dma_wait3A_668 = tpu.memref_squeeze %dma_wait3A_667 : memref<1x32x128xf32, #tpu.memory_space<vmem>> -> memref<32x128xf32, #tpu.memory_space<vmem>>
        %dma_wait3A_669 = tpu.memref_slice %arg4[%select_n3A_601, %select_n3A_625, %mul3A_643, %multiple_of3A_662] : memref<50x8x32x1024xf32, #tpu.memory_space<hbm>> -> memref<1x1x32x128xf32, #tpu.memory_space<hbm>>
        %dma_wait3A_670 = tpu.memref_squeeze %dma_wait3A_669 : memref<1x1x32x128xf32, #tpu.memory_space<hbm>> -> memref<32x128xf32, #tpu.memory_space<hbm>>
        %dma_wait3A_671 = tpu.memref_slice %arg9[%dma_wait3A_664] : memref<2x!tpu.dma_semaphore, #tpu.memory_space<semaphore_mem>> -> memref<1x!tpu.dma_semaphore, #tpu.memory_space<semaphore_mem>>
        %dma_wait3A_672 = tpu.memref_squeeze %dma_wait3A_671 : memref<1x!tpu.dma_semaphore, #tpu.memory_space<semaphore_mem>> -> memref<!tpu.dma_semaphore, #tpu.memory_space<semaphore_mem>>
        %dma_wait3A_673 = tpu.memref_slice %arg4[%select_n3A_601, %select_n3A_625, %mul3A_643, %multiple_of3A_662] : memref<50x8x32x1024xf32, #tpu.memory_space<hbm>> -> memref<1x1x32x128xf32, #tpu.memory_space<hbm>>
        %dma_wait3A_674 = tpu.memref_squeeze %dma_wait3A_673 : memref<1x1x32x128xf32, #tpu.memory_space<hbm>> -> memref<32x128xf32, #tpu.memory_space<hbm>>
        %dma_wait3A_675 = arith.constant 0 : i32
        %dma_wait3A_676 = arith.constant 0 : i32
        %dma_wait3A_677 = tpu.memref_slice %arg7[%dma_wait3A_663, %dma_wait3A_675, %dma_wait3A_676] : memref<2x32x128xf32, #tpu.memory_space<vmem>> -> memref<1x32x128xf32, #tpu.memory_space<vmem>>
        %dma_wait3A_678 = tpu.memref_squeeze %dma_wait3A_677 : memref<1x32x128xf32, #tpu.memory_space<vmem>> -> memref<32x128xf32, #tpu.memory_space<vmem>>
        tpu.wait_dma2 semaphore(%dma_wait3A_672 : memref<!tpu.dma_semaphore, #tpu.memory_space<semaphore_mem>>) src(%dma_wait3A_678 : memref<32x128xf32, #tpu.memory_space<vmem>>) dst(%dma_wait3A_674 : memref<32x128xf32, #tpu.memory_space<hbm>>)
      } else {
      }
      %parallel_loop3A = arith.constant 0 : i32
      %parallel_loop3A_336 = arith.constant 4096 : i32
      %parallel_loop3A_337 = arith.constant 16 : i32
      scf.for %parallel_loop3A_576 = %parallel_loop3A to %parallel_loop3A_336 step %parallel_loop3A_337  : i32 {
        %parallel_loop3A_577 = arith.constant 0 : i32
        %parallel_loop3A_578 = arith.index_cast %parallel_loop3A_577 : i32 to index
        %parallel_loop3A_579 = arith.index_cast %parallel_loop3A_576 : i32 to index
        %parallel_loop3A_580 = tpu.vector_load %arg6[%parallel_loop3A_578, %parallel_loop3A_579] {strides = array<i32>} : memref<2x4096xi32, #tpu.memory_space<vmem>>, vector<16xi32>,
        %parallel_loop3A_581 = tpu.vector_load_idx %arg5[%parallel_loop3A_580] : memref<100000xf32, #tpu.memory_space<vmem>>[vector<16xi32>], vector<16xf32>,
        %parallel_loop3A_582 = arith.constant 128 : i32
        %parallel_loop3A_583 = arith.divsi %parallel_loop3A_576, %parallel_loop3A_582 : i32
        %parallel_loop3A_584 = arith.constant 0 : i32
        %parallel_loop3A_585 = arith.cmpi sgt, %parallel_loop3A_576, %parallel_loop3A_584 : i32
        %parallel_loop3A_586 = arith.extui %parallel_loop3A_585 : i1 to i32
        %parallel_loop3A_587 = arith.constant 0 : i32
        %parallel_loop3A_588 = arith.cmpi slt, %parallel_loop3A_576, %parallel_loop3A_587 : i32
        %parallel_loop3A_589 = arith.extui %parallel_loop3A_588 : i1 to i32
        %parallel_loop3A_590 = arith.subi %parallel_loop3A_586, %parallel_loop3A_589 : i32
        %parallel_loop3A_591 = arith.constant 0 : i32
        %parallel_loop3A_592 = arith.cmpi sgt, %parallel_loop3A_582, %parallel_loop3A_591 : i32
        %parallel_loop3A_593 = arith.extui %parallel_loop3A_592 : i1 to i32
        %parallel_loop3A_594 = arith.constant 0 : i32
        %parallel_loop3A_595 = arith.cmpi slt, %parallel_loop3A_582, %parallel_loop3A_594 : i32
        %parallel_loop3A_596 = arith.extui %parallel_loop3A_595 : i1 to i32
        %parallel_loop3A_597 = arith.subi %parallel_loop3A_593, %parallel_loop3A_596 : i32
        %parallel_loop3A_598 = arith.cmpi ne, %parallel_loop3A_590, %parallel_loop3A_597 : i32
        %parallel_loop3A_599 = arith.remsi %parallel_loop3A_576, %parallel_loop3A_582 : i32
        %parallel_loop3A_600 = arith.constant 0 : i32
        %parallel_loop3A_601 = arith.cmpi ne, %parallel_loop3A_599, %parallel_loop3A_600 : i32
        %parallel_loop3A_602 = arith.andi %parallel_loop3A_598, %parallel_loop3A_601 : i1
        %parallel_loop3A_603 = arith.constant 1 : i32
        %parallel_loop3A_604 = arith.subi %parallel_loop3A_583, %parallel_loop3A_603 : i32
        %parallel_loop3A_605 = arith.select %parallel_loop3A_602, %parallel_loop3A_604, %parallel_loop3A_583 : i32
        %parallel_loop3A_606 = arith.constant 128 : i32
        %parallel_loop3A_607 = arith.constant 0 : i32
        %parallel_loop3A_608 = arith.cmpi eq, %parallel_loop3A_606, %parallel_loop3A_607 : i32
        %parallel_loop3A_609 = arith.constant 1 : i32
        %parallel_loop3A_610 = arith.select %parallel_loop3A_608, %parallel_loop3A_609, %parallel_loop3A_606 : i32
        %parallel_loop3A_611 = arith.remsi %parallel_loop3A_576, %parallel_loop3A_610 : i32
        %parallel_loop3A_612 = arith.constant 0 : i32
        %parallel_loop3A_613 = arith.cmpi ne, %parallel_loop3A_611, %parallel_loop3A_612 : i32
        %parallel_loop3A_614 = arith.constant 0 : i32
        %parallel_loop3A_615 = arith.cmpi slt, %parallel_loop3A_611, %parallel_loop3A_614 : i32
        %parallel_loop3A_616 = arith.constant 0 : i32
        %parallel_loop3A_617 = arith.cmpi slt, %parallel_loop3A_610, %parallel_loop3A_616 : i32
        %parallel_loop3A_618 = arith.xori %parallel_loop3A_615, %parallel_loop3A_617 : i1
        %parallel_loop3A_619 = arith.andi %parallel_loop3A_618, %parallel_loop3A_613 : i1
        %parallel_loop3A_620 = arith.addi %parallel_loop3A_611, %parallel_loop3A_610 : i32
        %parallel_loop3A_621 = arith.select %parallel_loop3A_619, %parallel_loop3A_620, %parallel_loop3A_611 : i32
        %parallel_loop3A_622 = arith.constant 0 : i32
        %parallel_loop3A_623 = arith.index_cast %parallel_loop3A_622 : i32 to index
        %parallel_loop3A_624 = arith.index_cast %parallel_loop3A_605 : i32 to index
        %parallel_loop3A_625 = arith.index_cast %parallel_loop3A_621 : i32 to index
        %parallel_loop3A_626 = tpu.vector_load %arg7[%parallel_loop3A_623, %parallel_loop3A_624, %parallel_loop3A_625] {strides = array<i32>} : memref<2x32x128xf32, #tpu.memory_space<vmem>>, vector<16xf32>,
        tpu.vector_store %arg7[%parallel_loop3A_623, %parallel_loop3A_624, %parallel_loop3A_625], %parallel_loop3A_581 {strides = array<i32>} : memref<2x32x128xf32, #tpu.memory_space<vmem>>, vector<16xf32>,
      } {sc.loop_unroll_factor = 32 : i64, sc.parallel_access}
      %lt3A_338 = arith.constant 24 : i32
      %lt3A_339 = arith.cmpi slt, %scan3A_315, %lt3A_338 : i32
      %convert_element_type3A_340 = arith.extui %lt3A_339 : i1 to i32
      %cond3A_341 = arith.constant 0 : i32
      %cond3A_342 = arith.cmpi ne, %convert_element_type3A_340, %cond3A_341 : i32
      scf.if %cond3A_342 {
        %add3A_576 = arith.constant 2 : i32
        %add3A_577 = arith.addi %add3A_319, %add3A_576 : i32
        %mul3A_578 = arith.constant 4096 : i32
        %mul3A_579 = arith.muli %add3A_577, %mul3A_578 : i32
        %dma_start3A_580 = arith.constant 0 : i32
        %dma_start3A_581 = arith.constant 0 : i32
        %dma_start3A_582 = arith.constant 0 : i32
        %dma_start3A_583 = tpu.memref_slice %arg6[%dma_start3A_580, %dma_start3A_582] : memref<2x4096xi32, #tpu.memory_space<vmem>> -> memref<1x4096xi32, #tpu.memory_space<vmem>>
        %dma_start3A_584 = tpu.memref_squeeze %dma_start3A_583 : memref<1x4096xi32, #tpu.memory_space<vmem>> -> memref<4096xi32, #tpu.memory_space<vmem>>
        %dma_start3A_585 = tpu.memref_slice %arg2[%mul3A_579] : memref<204800xi32, #tpu.memory_space<hbm>> -> memref<4096xi32, #tpu.memory_space<hbm>>
        %dma_start3A_586 = tpu.memref_slice %arg8[%dma_start3A_581] : memref<2x!tpu.dma_semaphore, #tpu.memory_space<semaphore_mem>> -> memref<1x!tpu.dma_semaphore, #tpu.memory_space<semaphore_mem>>
        %dma_start3A_587 = tpu.memref_squeeze %dma_start3A_586 : memref<1x!tpu.dma_semaphore, #tpu.memory_space<semaphore_mem>> -> memref<!tpu.dma_semaphore, #tpu.memory_space<semaphore_mem>>
        %dma_start3A_588 = arith.constant 0 : i32
        %dma_start3A_589 = tpu.memref_slice %arg6[%dma_start3A_580, %dma_start3A_588] : memref<2x4096xi32, #tpu.memory_space<vmem>> -> memref<1x4096xi32, #tpu.memory_space<vmem>>
        %dma_start3A_590 = tpu.memref_squeeze %dma_start3A_589 : memref<1x4096xi32, #tpu.memory_space<vmem>> -> memref<4096xi32, #tpu.memory_space<vmem>>
        %dma_start3A_591 = tpu.memref_slice %arg2[%mul3A_579] : memref<204800xi32, #tpu.memory_space<hbm>> -> memref<4096xi32, #tpu.memory_space<hbm>>
        tpu.enqueue_dma source(%dma_start3A_591 : memref<4096xi32, #tpu.memory_space<hbm>>) target(%dma_start3A_590 : memref<4096xi32, #tpu.memory_space<vmem>>) target_semaphore(%dma_start3A_587 : memref<!tpu.dma_semaphore, #tpu.memory_space<semaphore_mem>>)
      } else {
      }
      %jit3A_343 = arith.constant 1 : i32
      %div3A_344 = arith.divsi %add3A_319, %jit3A_343 : i32
      %sign3A_345 = arith.constant 0 : i32
      %sign3A_346 = arith.cmpi sgt, %add3A_319, %sign3A_345 : i32
      %sign3A_347 = arith.extui %sign3A_346 : i1 to i32
      %sign3A_348 = arith.constant 0 : i32
      %sign3A_349 = arith.cmpi slt, %add3A_319, %sign3A_348 : i32
      %sign3A_350 = arith.extui %sign3A_349 : i1 to i32
      %sign3A_351 = arith.subi %sign3A_347, %sign3A_350 : i32
      %sign3A_352 = arith.constant 0 : i32
      %sign3A_353 = arith.cmpi sgt, %jit3A_343, %sign3A_352 : i32
      %sign3A_354 = arith.extui %sign3A_353 : i1 to i32
      %sign3A_355 = arith.constant 0 : i32
      %sign3A_356 = arith.cmpi slt, %jit3A_343, %sign3A_355 : i32
      %sign3A_357 = arith.extui %sign3A_356 : i1 to i32
      %sign3A_358 = arith.subi %sign3A_354, %sign3A_357 : i32
      %ne3A_359 = arith.cmpi ne, %sign3A_351, %sign3A_358 : i32
      %rem3A_360 = arith.remsi %add3A_319, %jit3A_343 : i32
      %ne3A_361 = arith.constant 0 : i32
      %ne3A_362 = arith.cmpi ne, %rem3A_360, %ne3A_361 : i32
      %and3A_363 = arith.andi %ne3A_359, %ne3A_362 : i1
      %sub3A_364 = arith.constant 1 : i32
      %sub3A_365 = arith.subi %div3A_344, %sub3A_364 : i32
      %select_n3A_366 = arith.select %and3A_363, %sub3A_365, %div3A_344 : i32
      %jit3A_367 = arith.constant 8 : i32
      %div3A_368 = arith.divsi %add3A_154, %jit3A_367 : i32
      %sign3A_369 = arith.constant 0 : i32
      %sign3A_370 = arith.cmpi sgt, %add3A_154, %sign3A_369 : i32
      %sign3A_371 = arith.extui %sign3A_370 : i1 to i32
      %sign3A_372 = arith.constant 0 : i32
      %sign3A_373 = arith.cmpi slt, %add3A_154, %sign3A_372 : i32
      %sign3A_374 = arith.extui %sign3A_373 : i1 to i32
      %sign3A_375 = arith.subi %sign3A_371, %sign3A_374 : i32
      %sign3A_376 = arith.constant 0 : i32
      %sign3A_377 = arith.cmpi sgt, %jit3A_367, %sign3A_376 : i32
      %sign3A_378 = arith.extui %sign3A_377 : i1 to i32
      %sign3A_379 = arith.constant 0 : i32
      %sign3A_380 = arith.cmpi slt, %jit3A_367, %sign3A_379 : i32
      %sign3A_381 = arith.extui %sign3A_380 : i1 to i32
      %sign3A_382 = arith.subi %sign3A_378, %sign3A_381 : i32
      %ne3A_383 = arith.cmpi ne, %sign3A_375, %sign3A_382 : i32
      %rem3A_384 = arith.remsi %add3A_154, %jit3A_367 : i32
      %ne3A_385 = arith.constant 0 : i32
      %ne3A_386 = arith.cmpi ne, %rem3A_384, %ne3A_385 : i32
      %and3A_387 = arith.andi %ne3A_383, %ne3A_386 : i1
      %sub3A_388 = arith.constant 1 : i32
      %sub3A_389 = arith.subi %div3A_368, %sub3A_388 : i32
      %select_n3A_390 = arith.select %and3A_387, %sub3A_389, %div3A_368 : i32
      %jit3A_391 = arith.constant 1 : i32
      %eq3A_392 = arith.constant 0 : i32
      %eq3A_393 = arith.cmpi eq, %jit3A_391, %eq3A_392 : i32
      %jit3A_394 = arith.constant 1 : i32
      %select_n3A_395 = arith.select %eq3A_393, %jit3A_394, %jit3A_391 : i32
      %rem3A_396 = arith.remsi %add3A_319, %select_n3A_395 : i32
      %ne3A_397 = arith.constant 0 : i32
      %ne3A_398 = arith.cmpi ne, %rem3A_396, %ne3A_397 : i32
      %lt3A_399 = arith.constant 0 : i32
      %lt3A_400 = arith.cmpi slt, %rem3A_396, %lt3A_399 : i32
      %lt3A_401 = arith.constant 0 : i32
      %lt3A_402 = arith.cmpi slt, %select_n3A_395, %lt3A_401 : i32
      %ne3A_403 = arith.xori %lt3A_400, %lt3A_402 : i1
      %and3A_404 = arith.andi %ne3A_403, %ne3A_398 : i1
      %add3A_405 = arith.addi %rem3A_396, %select_n3A_395 : i32
      %select_n3A_406 = arith.select %and3A_404, %add3A_405, %rem3A_396 : i32
      %mul3A_407 = arith.constant 32 : i32
      %mul3A_408 = arith.muli %select_n3A_406, %mul3A_407 : i32
      %jit3A_409 = arith.constant 8 : i32
      %eq3A_410 = arith.constant 0 : i32
      %eq3A_411 = arith.cmpi eq, %jit3A_409, %eq3A_410 : i32
      %jit3A_412 = arith.constant 1 : i32
      %select_n3A_413 = arith.select %eq3A_411, %jit3A_412, %jit3A_409 : i32
      %rem3A_414 = arith.remsi %add3A_154, %select_n3A_413 : i32
      %ne3A_415 = arith.constant 0 : i32
      %ne3A_416 = arith.cmpi ne, %rem3A_414, %ne3A_415 : i32
      %lt3A_417 = arith.constant 0 : i32
      %lt3A_418 = arith.cmpi slt, %rem3A_414, %lt3A_417 : i32
      %lt3A_419 = arith.constant 0 : i32
      %lt3A_420 = arith.cmpi slt, %select_n3A_413, %lt3A_419 : i32
      %ne3A_421 = arith.xori %lt3A_418, %lt3A_420 : i1
      %and3A_422 = arith.andi %ne3A_421, %ne3A_416 : i1
      %add3A_423 = arith.addi %rem3A_414, %select_n3A_413 : i32
      %select_n3A_424 = arith.select %and3A_422, %add3A_423, %rem3A_414 : i32
      %mul3A_425 = arith.constant 128 : i32
      %mul3A_426 = arith.muli %select_n3A_424, %mul3A_425 : i32
      %multiple_of3A_427 = tpu.assume_multiple %mul3A_426, 128 : i32
      %dma_start3A_428 = arith.constant 0 : i32
      %dma_start3A_429 = arith.constant 0 : i32
      %dma_start3A_430 = arith.constant 0 : i32
      %dma_start3A_431 = arith.constant 0 : i32
      %dma_start3A_432 = tpu.memref_slice %arg7[%dma_start3A_428, %dma_start3A_430, %dma_start3A_431] : memref<2x32x128xf32, #tpu.memory_space<vmem>> -> memref<1x32x128xf32, #tpu.memory_space<vmem>>
      %dma_start3A_433 = tpu.memref_squeeze %dma_start3A_432 : memref<1x32x128xf32, #tpu.memory_space<vmem>> -> memref<32x128xf32, #tpu.memory_space<vmem>>
      %dma_start3A_434 = tpu.memref_slice %arg4[%select_n3A_366, %select_n3A_390, %mul3A_408, %multiple_of3A_427] : memref<50x8x32x1024xf32, #tpu.memory_space<hbm>> -> memref<1x1x32x128xf32, #tpu.memory_space<hbm>>
      %dma_start3A_435 = tpu.memref_squeeze %dma_start3A_434 : memref<1x1x32x128xf32, #tpu.memory_space<hbm>> -> memref<32x128xf32, #tpu.memory_space<hbm>>
      %dma_start3A_436 = tpu.memref_slice %arg9[%dma_start3A_429] : memref<2x!tpu.dma_semaphore, #tpu.memory_space<semaphore_mem>> -> memref<1x!tpu.dma_semaphore, #tpu.memory_space<semaphore_mem>>
      %dma_start3A_437 = tpu.memref_squeeze %dma_start3A_436 : memref<1x!tpu.dma_semaphore, #tpu.memory_space<semaphore_mem>> -> memref<!tpu.dma_semaphore, #tpu.memory_space<semaphore_mem>>
      %dma_start3A_438 = tpu.memref_slice %arg4[%select_n3A_366, %select_n3A_390, %mul3A_408, %multiple_of3A_427] : memref<50x8x32x1024xf32, #tpu.memory_space<hbm>> -> memref<1x1x32x128xf32, #tpu.memory_space<hbm>>
      %dma_start3A_439 = tpu.memref_squeeze %dma_start3A_438 : memref<1x1x32x128xf32, #tpu.memory_space<hbm>> -> memref<32x128xf32, #tpu.memory_space<hbm>>
      %dma_start3A_440 = arith.constant 0 : i32
      %dma_start3A_441 = arith.constant 0 : i32
      %dma_start3A_442 = tpu.memref_slice %arg7[%dma_start3A_428, %dma_start3A_440, %dma_start3A_441] : memref<2x32x128xf32, #tpu.memory_space<vmem>> -> memref<1x32x128xf32, #tpu.memory_space<vmem>>
      %dma_start3A_443 = tpu.memref_squeeze %dma_start3A_442 : memref<1x32x128xf32, #tpu.memory_space<vmem>> -> memref<32x128xf32, #tpu.memory_space<vmem>>
      tpu.enqueue_dma source(%dma_start3A_443 : memref<32x128xf32, #tpu.memory_space<vmem>>) target(%dma_start3A_439 : memref<32x128xf32, #tpu.memory_space<hbm>>) target_semaphore(%dma_start3A_437 : memref<!tpu.dma_semaphore, #tpu.memory_space<semaphore_mem>>)
      %mul3A_444 = arith.constant 2 : i32
      %mul3A_445 = arith.muli %scan3A_315, %mul3A_444 : i32
      %add3A_446 = arith.constant 1 : i32
      %add3A_447 = arith.addi %mul3A_445, %add3A_446 : i32
      %dma_wait3A_448 = arith.constant 1 : i32
      %dma_wait3A_449 = arith.constant 1 : i32
      %dma_wait3A_450 = arith.constant 0 : i32
      %dma_wait3A_451 = tpu.memref_slice %arg6[%dma_wait3A_448, %dma_wait3A_450] : memref<2x4096xi32, #tpu.memory_space<vmem>> -> memref<1x4096xi32, #tpu.memory_space<vmem>>
      %dma_wait3A_452 = tpu.memref_squeeze %dma_wait3A_451 : memref<1x4096xi32, #tpu.memory_space<vmem>> -> memref<4096xi32, #tpu.memory_space<vmem>>
      %dma_wait3A_453 = arith.constant 0 : i32
      %dma_wait3A_454 = tpu.memref_slice %arg2[%dma_wait3A_453] : memref<204800xi32, #tpu.memory_space<hbm>> -> memref<4096xi32, #tpu.memory_space<hbm>>
      %dma_wait3A_455 = tpu.memref_slice %arg8[%dma_wait3A_449] : memref<2x!tpu.dma_semaphore, #tpu.memory_space<semaphore_mem>> -> memref<1x!tpu.dma_semaphore, #tpu.memory_space<semaphore_mem>>
      %dma_wait3A_456 = tpu.memref_squeeze %dma_wait3A_455 : memref<1x!tpu.dma_semaphore, #tpu.memory_space<semaphore_mem>> -> memref<!tpu.dma_semaphore, #tpu.memory_space<semaphore_mem>>
      %dma_wait3A_457 = arith.constant 0 : i32
      %dma_wait3A_458 = tpu.memref_slice %arg6[%dma_wait3A_448, %dma_wait3A_457] : memref<2x4096xi32, #tpu.memory_space<vmem>> -> memref<1x4096xi32, #tpu.memory_space<vmem>>
      %dma_wait3A_459 = tpu.memref_squeeze %dma_wait3A_458 : memref<1x4096xi32, #tpu.memory_space<vmem>> -> memref<4096xi32, #tpu.memory_space<vmem>>
      %dma_wait3A_460 = arith.constant 0 : i32
      %dma_wait3A_461 = tpu.memref_slice %arg2[%dma_wait3A_460] : memref<204800xi32, #tpu.memory_space<hbm>> -> memref<4096xi32, #tpu.memory_space<hbm>>
      tpu.wait_dma2 semaphore(%dma_wait3A_456 : memref<!tpu.dma_semaphore, #tpu.memory_space<semaphore_mem>>) src(%dma_wait3A_461 : memref<4096xi32, #tpu.memory_space<hbm>>) dst(%dma_wait3A_459 : memref<4096xi32, #tpu.memory_space<vmem>>)
      %gt3A_462 = arith.constant 0 : i32
      %gt3A_463 = arith.cmpi sgt, %scan3A_315, %gt3A_462 : i32
      %convert_element_type3A_464 = arith.extui %gt3A_463 : i1 to i32
      %cond3A_465 = arith.constant 0 : i32
      %cond3A_466 = arith.cmpi ne, %convert_element_type3A_464, %cond3A_465 : i32
      scf.if %cond3A_466 {
        %sub3A_576 = arith.constant 2 : i32
        %sub3A_577 = arith.subi %add3A_447, %sub3A_576 : i32
        %jit3A_578 = arith.constant 1 : i32
        %div3A_579 = arith.divsi %sub3A_577, %jit3A_578 : i32
        %sign3A_580 = arith.constant 0 : i32
        %sign3A_581 = arith.cmpi sgt, %sub3A_577, %sign3A_580 : i32
        %sign3A_582 = arith.extui %sign3A_581 : i1 to i32
        %sign3A_583 = arith.constant 0 : i32
        %sign3A_584 = arith.cmpi slt, %sub3A_577, %sign3A_583 : i32
        %sign3A_585 = arith.extui %sign3A_584 : i1 to i32
        %sign3A_586 = arith.subi %sign3A_582, %sign3A_585 : i32
        %sign3A_587 = arith.constant 0 : i32
        %sign3A_588 = arith.cmpi sgt, %jit3A_578, %sign3A_587 : i32
        %sign3A_589 = arith.extui %sign3A_588 : i1 to i32
        %sign3A_590 = arith.constant 0 : i32
        %sign3A_591 = arith.cmpi slt, %jit3A_578, %sign3A_590 : i32
        %sign3A_592 = arith.extui %sign3A_591 : i1 to i32
        %sign3A_593 = arith.subi %sign3A_589, %sign3A_592 : i32
        %ne3A_594 = arith.cmpi ne, %sign3A_586, %sign3A_593 : i32
        %rem3A_595 = arith.remsi %sub3A_577, %jit3A_578 : i32
        %ne3A_596 = arith.constant 0 : i32
        %ne3A_597 = arith.cmpi ne, %rem3A_595, %ne3A_596 : i32
        %and3A_598 = arith.andi %ne3A_594, %ne3A_597 : i1
        %sub3A_599 = arith.constant 1 : i32
        %sub3A_600 = arith.subi %div3A_579, %sub3A_599 : i32
        %select_n3A_601 = arith.select %and3A_598, %sub3A_600, %div3A_579 : i32
        %jit3A_602 = arith.constant 8 : i32
        %div3A_603 = arith.divsi %add3A_154, %jit3A_602 : i32
        %sign3A_604 = arith.constant 0 : i32
        %sign3A_605 = arith.cmpi sgt, %add3A_154, %sign3A_604 : i32
        %sign3A_606 = arith.extui %sign3A_605 : i1 to i32
        %sign3A_607 = arith.constant 0 : i32
        %sign3A_608 = arith.cmpi slt, %add3A_154, %sign3A_607 : i32
        %sign3A_609 = arith.extui %sign3A_608 : i1 to i32
        %sign3A_610 = arith.subi %sign3A_606, %sign3A_609 : i32
        %sign3A_611 = arith.constant 0 : i32
        %sign3A_612 = arith.cmpi sgt, %jit3A_602, %sign3A_611 : i32
        %sign3A_613 = arith.extui %sign3A_612 : i1 to i32
        %sign3A_614 = arith.constant 0 : i32
        %sign3A_615 = arith.cmpi slt, %jit3A_602, %sign3A_614 : i32
        %sign3A_616 = arith.extui %sign3A_615 : i1 to i32
        %sign3A_617 = arith.subi %sign3A_613, %sign3A_616 : i32
        %ne3A_618 = arith.cmpi ne, %sign3A_610, %sign3A_617 : i32
        %rem3A_619 = arith.remsi %add3A_154, %jit3A_602 : i32
        %ne3A_620 = arith.constant 0 : i32
        %ne3A_621 = arith.cmpi ne, %rem3A_619, %ne3A_620 : i32
        %and3A_622 = arith.andi %ne3A_618, %ne3A_621 : i1
        %sub3A_623 = arith.constant 1 : i32
        %sub3A_624 = arith.subi %div3A_603, %sub3A_623 : i32
        %select_n3A_625 = arith.select %and3A_622, %sub3A_624, %div3A_603 : i32
        %jit3A_626 = arith.constant 1 : i32
        %eq3A_627 = arith.constant 0 : i32
        %eq3A_628 = arith.cmpi eq, %jit3A_626, %eq3A_627 : i32
        %jit3A_629 = arith.constant 1 : i32
        %select_n3A_630 = arith.select %eq3A_628, %jit3A_629, %jit3A_626 : i32
        %rem3A_631 = arith.remsi %sub3A_577, %select_n3A_630 : i32
        %ne3A_632 = arith.constant 0 : i32
        %ne3A_633 = arith.cmpi ne, %rem3A_631, %ne3A_632 : i32
        %lt3A_634 = arith.constant 0 : i32
        %lt3A_635 = arith.cmpi slt, %rem3A_631, %lt3A_634 : i32
        %lt3A_636 = arith.constant 0 : i32
        %lt3A_637 = arith.cmpi slt, %select_n3A_630, %lt3A_636 : i32
        %ne3A_638 = arith.xori %lt3A_635, %lt3A_637 : i1
        %and3A_639 = arith.andi %ne3A_638, %ne3A_633 : i1
        %add3A_640 = arith.addi %rem3A_631, %select_n3A_630 : i32
        %select_n3A_641 = arith.select %and3A_639, %add3A_640, %rem3A_631 : i32
        %mul3A_642 = arith.constant 32 : i32
        %mul3A_643 = arith.muli %select_n3A_641, %mul3A_642 : i32
        %jit3A_644 = arith.constant 8 : i32
        %eq3A_645 = arith.constant 0 : i32
        %eq3A_646 = arith.cmpi eq, %jit3A_644, %eq3A_645 : i32
        %jit3A_647 = arith.constant 1 : i32
        %select_n3A_648 = arith.select %eq3A_646, %jit3A_647, %jit3A_644 : i32
        %rem3A_649 = arith.remsi %add3A_154, %select_n3A_648 : i32
        %ne3A_650 = arith.constant 0 : i32
        %ne3A_651 = arith.cmpi ne, %rem3A_649, %ne3A_650 : i32
        %lt3A_652 = arith.constant 0 : i32
        %lt3A_653 = arith.cmpi slt, %rem3A_649, %lt3A_652 : i32
        %lt3A_654 = arith.constant 0 : i32
        %lt3A_655 = arith.cmpi slt, %select_n3A_648, %lt3A_654 : i32
        %ne3A_656 = arith.xori %lt3A_653, %lt3A_655 : i1
        %and3A_657 = arith.andi %ne3A_656, %ne3A_651 : i1
        %add3A_658 = arith.addi %rem3A_649, %select_n3A_648 : i32
        %select_n3A_659 = arith.select %and3A_657, %add3A_658, %rem3A_649 : i32
        %mul3A_660 = arith.constant 128 : i32
        %mul3A_661 = arith.muli %select_n3A_659, %mul3A_660 : i32
        %multiple_of3A_662 = tpu.assume_multiple %mul3A_661, 128 : i32
        %dma_wait3A_663 = arith.constant 1 : i32
        %dma_wait3A_664 = arith.constant 1 : i32
        %dma_wait3A_665 = arith.constant 0 : i32
        %dma_wait3A_666 = arith.constant 0 : i32
        %dma_wait3A_667 = tpu.memref_slice %arg7[%dma_wait3A_663, %dma_wait3A_665, %dma_wait3A_666] : memref<2x32x128xf32, #tpu.memory_space<vmem>> -> memref<1x32x128xf32, #tpu.memory_space<vmem>>
        %dma_wait3A_668 = tpu.memref_squeeze %dma_wait3A_667 : memref<1x32x128xf32, #tpu.memory_space<vmem>> -> memref<32x128xf32, #tpu.memory_space<vmem>>
        %dma_wait3A_669 = tpu.memref_slice %arg4[%select_n3A_601, %select_n3A_625, %mul3A_643, %multiple_of3A_662] : memref<50x8x32x1024xf32, #tpu.memory_space<hbm>> -> memref<1x1x32x128xf32, #tpu.memory_space<hbm>>
        %dma_wait3A_670 = tpu.memref_squeeze %dma_wait3A_669 : memref<1x1x32x128xf32, #tpu.memory_space<hbm>> -> memref<32x128xf32, #tpu.memory_space<hbm>>
        %dma_wait3A_671 = tpu.memref_slice %arg9[%dma_wait3A_664] : memref<2x!tpu.dma_semaphore, #tpu.memory_space<semaphore_mem>> -> memref<1x!tpu.dma_semaphore, #tpu.memory_space<semaphore_mem>>
        %dma_wait3A_672 = tpu.memref_squeeze %dma_wait3A_671 : memref<1x!tpu.dma_semaphore, #tpu.memory_space<semaphore_mem>> -> memref<!tpu.dma_semaphore, #tpu.memory_space<semaphore_mem>>
        %dma_wait3A_673 = tpu.memref_slice %arg4[%select_n3A_601, %select_n3A_625, %mul3A_643, %multiple_of3A_662] : memref<50x8x32x1024xf32, #tpu.memory_space<hbm>> -> memref<1x1x32x128xf32, #tpu.memory_space<hbm>>
        %dma_wait3A_674 = tpu.memref_squeeze %dma_wait3A_673 : memref<1x1x32x128xf32, #tpu.memory_space<hbm>> -> memref<32x128xf32, #tpu.memory_space<hbm>>
        %dma_wait3A_675 = arith.constant 0 : i32
        %dma_wait3A_676 = arith.constant 0 : i32
        %dma_wait3A_677 = tpu.memref_slice %arg7[%dma_wait3A_663, %dma_wait3A_675, %dma_wait3A_676] : memref<2x32x128xf32, #tpu.memory_space<vmem>> -> memref<1x32x128xf32, #tpu.memory_space<vmem>>
        %dma_wait3A_678 = tpu.memref_squeeze %dma_wait3A_677 : memref<1x32x128xf32, #tpu.memory_space<vmem>> -> memref<32x128xf32, #tpu.memory_space<vmem>>
        tpu.wait_dma2 semaphore(%dma_wait3A_672 : memref<!tpu.dma_semaphore, #tpu.memory_space<semaphore_mem>>) src(%dma_wait3A_678 : memref<32x128xf32, #tpu.memory_space<vmem>>) dst(%dma_wait3A_674 : memref<32x128xf32, #tpu.memory_space<hbm>>)
      } else {
      }
      %parallel_loop3A_467 = arith.constant 0 : i32
      %parallel_loop3A_468 = arith.constant 4096 : i32
      %parallel_loop3A_469 = arith.constant 16 : i32
      scf.for %parallel_loop3A_576 = %parallel_loop3A_467 to %parallel_loop3A_468 step %parallel_loop3A_469  : i32 {
        %parallel_loop3A_577 = arith.constant 1 : i32
        %parallel_loop3A_578 = arith.index_cast %parallel_loop3A_577 : i32 to index
        %parallel_loop3A_579 = arith.index_cast %parallel_loop3A_576 : i32 to index
        %parallel_loop3A_580 = tpu.vector_load %arg6[%parallel_loop3A_578, %parallel_loop3A_579] {strides = array<i32>} : memref<2x4096xi32, #tpu.memory_space<vmem>>, vector<16xi32>,
        %parallel_loop3A_581 = tpu.vector_load_idx %arg5[%parallel_loop3A_580] : memref<100000xf32, #tpu.memory_space<vmem>>[vector<16xi32>], vector<16xf32>,
        %parallel_loop3A_582 = arith.constant 128 : i32
        %parallel_loop3A_583 = arith.divsi %parallel_loop3A_576, %parallel_loop3A_582 : i32
        %parallel_loop3A_584 = arith.constant 0 : i32
        %parallel_loop3A_585 = arith.cmpi sgt, %parallel_loop3A_576, %parallel_loop3A_584 : i32
        %parallel_loop3A_586 = arith.extui %parallel_loop3A_585 : i1 to i32
        %parallel_loop3A_587 = arith.constant 0 : i32
        %parallel_loop3A_588 = arith.cmpi slt, %parallel_loop3A_576, %parallel_loop3A_587 : i32
        %parallel_loop3A_589 = arith.extui %parallel_loop3A_588 : i1 to i32
        %parallel_loop3A_590 = arith.subi %parallel_loop3A_586, %parallel_loop3A_589 : i32
        %parallel_loop3A_591 = arith.constant 0 : i32
        %parallel_loop3A_592 = arith.cmpi sgt, %parallel_loop3A_582, %parallel_loop3A_591 : i32
        %parallel_loop3A_593 = arith.extui %parallel_loop3A_592 : i1 to i32
        %parallel_loop3A_594 = arith.constant 0 : i32
        %parallel_loop3A_595 = arith.cmpi slt, %parallel_loop3A_582, %parallel_loop3A_594 : i32
        %parallel_loop3A_596 = arith.extui %parallel_loop3A_595 : i1 to i32
        %parallel_loop3A_597 = arith.subi %parallel_loop3A_593, %parallel_loop3A_596 : i32
        %parallel_loop3A_598 = arith.cmpi ne, %parallel_loop3A_590, %parallel_loop3A_597 : i32
        %parallel_loop3A_599 = arith.remsi %parallel_loop3A_576, %parallel_loop3A_582 : i32
        %parallel_loop3A_600 = arith.constant 0 : i32
        %parallel_loop3A_601 = arith.cmpi ne, %parallel_loop3A_599, %parallel_loop3A_600 : i32
        %parallel_loop3A_602 = arith.andi %parallel_loop3A_598, %parallel_loop3A_601 : i1
        %parallel_loop3A_603 = arith.constant 1 : i32
        %parallel_loop3A_604 = arith.subi %parallel_loop3A_583, %parallel_loop3A_603 : i32
        %parallel_loop3A_605 = arith.select %parallel_loop3A_602, %parallel_loop3A_604, %parallel_loop3A_583 : i32
        %parallel_loop3A_606 = arith.constant 128 : i32
        %parallel_loop3A_607 = arith.constant 0 : i32
        %parallel_loop3A_608 = arith.cmpi eq, %parallel_loop3A_606, %parallel_loop3A_607 : i32
        %parallel_loop3A_609 = arith.constant 1 : i32
        %parallel_loop3A_610 = arith.select %parallel_loop3A_608, %parallel_loop3A_609, %parallel_loop3A_606 : i32
        %parallel_loop3A_611 = arith.remsi %parallel_loop3A_576, %parallel_loop3A_610 : i32
        %parallel_loop3A_612 = arith.constant 0 : i32
        %parallel_loop3A_613 = arith.cmpi ne, %parallel_loop3A_611, %parallel_loop3A_612 : i32
        %parallel_loop3A_614 = arith.constant 0 : i32
        %parallel_loop3A_615 = arith.cmpi slt, %parallel_loop3A_611, %parallel_loop3A_614 : i32
        %parallel_loop3A_616 = arith.constant 0 : i32
        %parallel_loop3A_617 = arith.cmpi slt, %parallel_loop3A_610, %parallel_loop3A_616 : i32
        %parallel_loop3A_618 = arith.xori %parallel_loop3A_615, %parallel_loop3A_617 : i1
        %parallel_loop3A_619 = arith.andi %parallel_loop3A_618, %parallel_loop3A_613 : i1
        %parallel_loop3A_620 = arith.addi %parallel_loop3A_611, %parallel_loop3A_610 : i32
        %parallel_loop3A_621 = arith.select %parallel_loop3A_619, %parallel_loop3A_620, %parallel_loop3A_611 : i32
        %parallel_loop3A_622 = arith.constant 1 : i32
        %parallel_loop3A_623 = arith.index_cast %parallel_loop3A_622 : i32 to index
        %parallel_loop3A_624 = arith.index_cast %parallel_loop3A_605 : i32 to index
        %parallel_loop3A_625 = arith.index_cast %parallel_loop3A_621 : i32 to index
        %parallel_loop3A_626 = tpu.vector_load %arg7[%parallel_loop3A_623, %parallel_loop3A_624, %parallel_loop3A_625] {strides = array<i32>} : memref<2x32x128xf32, #tpu.memory_space<vmem>>, vector<16xf32>,
        tpu.vector_store %arg7[%parallel_loop3A_623, %parallel_loop3A_624, %parallel_loop3A_625], %parallel_loop3A_581 {strides = array<i32>} : memref<2x32x128xf32, #tpu.memory_space<vmem>>, vector<16xf32>,
      } {sc.loop_unroll_factor = 32 : i64, sc.parallel_access}
      %lt3A_470 = arith.constant 24 : i32
      %lt3A_471 = arith.cmpi slt, %scan3A_315, %lt3A_470 : i32
      %convert_element_type3A_472 = arith.extui %lt3A_471 : i1 to i32
      %cond3A_473 = arith.constant 0 : i32
      %cond3A_474 = arith.cmpi ne, %convert_element_type3A_472, %cond3A_473 : i32
      scf.if %cond3A_474 {
        %add3A_576 = arith.constant 2 : i32
        %add3A_577 = arith.addi %add3A_447, %add3A_576 : i32
        %mul3A_578 = arith.constant 4096 : i32
        %mul3A_579 = arith.muli %add3A_577, %mul3A_578 : i32
        %dma_start3A_580 = arith.constant 1 : i32
        %dma_start3A_581 = arith.constant 1 : i32
        %dma_start3A_582 = arith.constant 0 : i32
        %dma_start3A_583 = tpu.memref_slice %arg6[%dma_start3A_580, %dma_start3A_582] : memref<2x4096xi32, #tpu.memory_space<vmem>> -> memref<1x4096xi32, #tpu.memory_space<vmem>>
        %dma_start3A_584 = tpu.memref_squeeze %dma_start3A_583 : memref<1x4096xi32, #tpu.memory_space<vmem>> -> memref<4096xi32, #tpu.memory_space<vmem>>
        %dma_start3A_585 = tpu.memref_slice %arg2[%mul3A_579] : memref<204800xi32, #tpu.memory_space<hbm>> -> memref<4096xi32, #tpu.memory_space<hbm>>
        %dma_start3A_586 = tpu.memref_slice %arg8[%dma_start3A_581] : memref<2x!tpu.dma_semaphore, #tpu.memory_space<semaphore_mem>> -> memref<1x!tpu.dma_semaphore, #tpu.memory_space<semaphore_mem>>
        %dma_start3A_587 = tpu.memref_squeeze %dma_start3A_586 : memref<1x!tpu.dma_semaphore, #tpu.memory_space<semaphore_mem>> -> memref<!tpu.dma_semaphore, #tpu.memory_space<semaphore_mem>>
        %dma_start3A_588 = arith.constant 0 : i32
        %dma_start3A_589 = tpu.memref_slice %arg6[%dma_start3A_580, %dma_start3A_588] : memref<2x4096xi32, #tpu.memory_space<vmem>> -> memref<1x4096xi32, #tpu.memory_space<vmem>>
        %dma_start3A_590 = tpu.memref_squeeze %dma_start3A_589 : memref<1x4096xi32, #tpu.memory_space<vmem>> -> memref<4096xi32, #tpu.memory_space<vmem>>
        %dma_start3A_591 = tpu.memref_slice %arg2[%mul3A_579] : memref<204800xi32, #tpu.memory_space<hbm>> -> memref<4096xi32, #tpu.memory_space<hbm>>
        tpu.enqueue_dma source(%dma_start3A_591 : memref<4096xi32, #tpu.memory_space<hbm>>) target(%dma_start3A_590 : memref<4096xi32, #tpu.memory_space<vmem>>) target_semaphore(%dma_start3A_587 : memref<!tpu.dma_semaphore, #tpu.memory_space<semaphore_mem>>)
      } else {
      }
      %jit3A_475 = arith.constant 1 : i32
      %div3A_476 = arith.divsi %add3A_447, %jit3A_475 : i32
      %sign3A_477 = arith.constant 0 : i32
      %sign3A_478 = arith.cmpi sgt, %add3A_447, %sign3A_477 : i32
      %sign3A_479 = arith.extui %sign3A_478 : i1 to i32
      %sign3A_480 = arith.constant 0 : i32
      %sign3A_481 = arith.cmpi slt, %add3A_447, %sign3A_480 : i32
      %sign3A_482 = arith.extui %sign3A_481 : i1 to i32
      %sign3A_483 = arith.subi %sign3A_479, %sign3A_482 : i32
      %sign3A_484 = arith.constant 0 : i32
      %sign3A_485 = arith.cmpi sgt, %jit3A_475, %sign3A_484 : i32
      %sign3A_486 = arith.extui %sign3A_485 : i1 to i32
      %sign3A_487 = arith.constant 0 : i32
      %sign3A_488 = arith.cmpi slt, %jit3A_475, %sign3A_487 : i32
      %sign3A_489 = arith.extui %sign3A_488 : i1 to i32
      %sign3A_490 = arith.subi %sign3A_486, %sign3A_489 : i32
      %ne3A_491 = arith.cmpi ne, %sign3A_483, %sign3A_490 : i32
      %rem3A_492 = arith.remsi %add3A_447, %jit3A_475 : i32
      %ne3A_493 = arith.constant 0 : i32
      %ne3A_494 = arith.cmpi ne, %rem3A_492, %ne3A_493 : i32
      %and3A_495 = arith.andi %ne3A_491, %ne3A_494 : i1
      %sub3A_496 = arith.constant 1 : i32
      %sub3A_497 = arith.subi %div3A_476, %sub3A_496 : i32
      %select_n3A_498 = arith.select %and3A_495, %sub3A_497, %div3A_476 : i32
      %jit3A_499 = arith.constant 8 : i32
      %div3A_500 = arith.divsi %add3A_154, %jit3A_499 : i32
      %sign3A_501 = arith.constant 0 : i32
      %sign3A_502 = arith.cmpi sgt, %add3A_154, %sign3A_501 : i32
      %sign3A_503 = arith.extui %sign3A_502 : i1 to i32
      %sign3A_504 = arith.constant 0 : i32
      %sign3A_505 = arith.cmpi slt, %add3A_154, %sign3A_504 : i32
      %sign3A_506 = arith.extui %sign3A_505 : i1 to i32
      %sign3A_507 = arith.subi %sign3A_503, %sign3A_506 : i32
      %sign3A_508 = arith.constant 0 : i32
      %sign3A_509 = arith.cmpi sgt, %jit3A_499, %sign3A_508 : i32
      %sign3A_510 = arith.extui %sign3A_509 : i1 to i32
      %sign3A_511 = arith.constant 0 : i32
      %sign3A_512 = arith.cmpi slt, %jit3A_499, %sign3A_511 : i32
      %sign3A_513 = arith.extui %sign3A_512 : i1 to i32
      %sign3A_514 = arith.subi %sign3A_510, %sign3A_513 : i32
      %ne3A_515 = arith.cmpi ne, %sign3A_507, %sign3A_514 : i32
      %rem3A_516 = arith.remsi %add3A_154, %jit3A_499 : i32
      %ne3A_517 = arith.constant 0 : i32
      %ne3A_518 = arith.cmpi ne, %rem3A_516, %ne3A_517 : i32
      %and3A_519 = arith.andi %ne3A_515, %ne3A_518 : i1
      %sub3A_520 = arith.constant 1 : i32
      %sub3A_521 = arith.subi %div3A_500, %sub3A_520 : i32
      %select_n3A_522 = arith.select %and3A_519, %sub3A_521, %div3A_500 : i32
      %jit3A_523 = arith.constant 1 : i32
      %eq3A_524 = arith.constant 0 : i32
      %eq3A_525 = arith.cmpi eq, %jit3A_523, %eq3A_524 : i32
      %jit3A_526 = arith.constant 1 : i32
      %select_n3A_527 = arith.select %eq3A_525, %jit3A_526, %jit3A_523 : i32
      %rem3A_528 = arith.remsi %add3A_447, %select_n3A_527 : i32
      %ne3A_529 = arith.constant 0 : i32
      %ne3A_530 = arith.cmpi ne, %rem3A_528, %ne3A_529 : i32
      %lt3A_531 = arith.constant 0 : i32
      %lt3A_532 = arith.cmpi slt, %rem3A_528, %lt3A_531 : i32
      %lt3A_533 = arith.constant 0 : i32
      %lt3A_534 = arith.cmpi slt, %select_n3A_527, %lt3A_533 : i32
      %ne3A_535 = arith.xori %lt3A_532, %lt3A_534 : i1
      %and3A_536 = arith.andi %ne3A_535, %ne3A_530 : i1
      %add3A_537 = arith.addi %rem3A_528, %select_n3A_527 : i32
      %select_n3A_538 = arith.select %and3A_536, %add3A_537, %rem3A_528 : i32
      %mul3A_539 = arith.constant 32 : i32
      %mul3A_540 = arith.muli %select_n3A_538, %mul3A_539 : i32
      %jit3A_541 = arith.constant 8 : i32
      %eq3A_542 = arith.constant 0 : i32
      %eq3A_543 = arith.cmpi eq, %jit3A_541, %eq3A_542 : i32
      %jit3A_544 = arith.constant 1 : i32
      %select_n3A_545 = arith.select %eq3A_543, %jit3A_544, %jit3A_541 : i32
      %rem3A_546 = arith.remsi %add3A_154, %select_n3A_545 : i32
      %ne3A_547 = arith.constant 0 : i32
      %ne3A_548 = arith.cmpi ne, %rem3A_546, %ne3A_547 : i32
      %lt3A_549 = arith.constant 0 : i32
      %lt3A_550 = arith.cmpi slt, %rem3A_546, %lt3A_549 : i32
      %lt3A_551 = arith.constant 0 : i32
      %lt3A_552 = arith.cmpi slt, %select_n3A_545, %lt3A_551 : i32
      %ne3A_553 = arith.xori %lt3A_550, %lt3A_552 : i1
      %and3A_554 = arith.andi %ne3A_553, %ne3A_548 : i1
      %add3A_555 = arith.addi %rem3A_546, %select_n3A_545 : i32
      %select_n3A_556 = arith.select %and3A_554, %add3A_555, %rem3A_546 : i32
      %mul3A_557 = arith.constant 128 : i32
      %mul3A_558 = arith.muli %select_n3A_556, %mul3A_557 : i32
      %multiple_of3A_559 = tpu.assume_multiple %mul3A_558, 128 : i32
      %dma_start3A_560 = arith.constant 1 : i32
      %dma_start3A_561 = arith.constant 1 : i32
      %dma_start3A_562 = arith.constant 0 : i32
      %dma_start3A_563 = arith.constant 0 : i32
      %dma_start3A_564 = tpu.memref_slice %arg7[%dma_start3A_560, %dma_start3A_562, %dma_start3A_563] : memref<2x32x128xf32, #tpu.memory_space<vmem>> -> memref<1x32x128xf32, #tpu.memory_space<vmem>>
      %dma_start3A_565 = tpu.memref_squeeze %dma_start3A_564 : memref<1x32x128xf32, #tpu.memory_space<vmem>> -> memref<32x128xf32, #tpu.memory_space<vmem>>
      %dma_start3A_566 = tpu.memref_slice %arg4[%select_n3A_498, %select_n3A_522, %mul3A_540, %multiple_of3A_559] : memref<50x8x32x1024xf32, #tpu.memory_space<hbm>> -> memref<1x1x32x128xf32, #tpu.memory_space<hbm>>
      %dma_start3A_567 = tpu.memref_squeeze %dma_start3A_566 : memref<1x1x32x128xf32, #tpu.memory_space<hbm>> -> memref<32x128xf32, #tpu.memory_space<hbm>>
      %dma_start3A_568 = tpu.memref_slice %arg9[%dma_start3A_561] : memref<2x!tpu.dma_semaphore, #tpu.memory_space<semaphore_mem>> -> memref<1x!tpu.dma_semaphore, #tpu.memory_space<semaphore_mem>>
      %dma_start3A_569 = tpu.memref_squeeze %dma_start3A_568 : memref<1x!tpu.dma_semaphore, #tpu.memory_space<semaphore_mem>> -> memref<!tpu.dma_semaphore, #tpu.memory_space<semaphore_mem>>
      %dma_start3A_570 = tpu.memref_slice %arg4[%select_n3A_498, %select_n3A_522, %mul3A_540, %multiple_of3A_559] : memref<50x8x32x1024xf32, #tpu.memory_space<hbm>> -> memref<1x1x32x128xf32, #tpu.memory_space<hbm>>
      %dma_start3A_571 = tpu.memref_squeeze %dma_start3A_570 : memref<1x1x32x128xf32, #tpu.memory_space<hbm>> -> memref<32x128xf32, #tpu.memory_space<hbm>>
      %dma_start3A_572 = arith.constant 0 : i32
      %dma_start3A_573 = arith.constant 0 : i32
      %dma_start3A_574 = tpu.memref_slice %arg7[%dma_start3A_560, %dma_start3A_572, %dma_start3A_573] : memref<2x32x128xf32, #tpu.memory_space<vmem>> -> memref<1x32x128xf32, #tpu.memory_space<vmem>>
      %dma_start3A_575 = tpu.memref_squeeze %dma_start3A_574 : memref<1x32x128xf32, #tpu.memory_space<vmem>> -> memref<32x128xf32, #tpu.memory_space<vmem>>
      tpu.enqueue_dma source(%dma_start3A_575 : memref<32x128xf32, #tpu.memory_space<vmem>>) target(%dma_start3A_571 : memref<32x128xf32, #tpu.memory_space<hbm>>) target_semaphore(%dma_start3A_569 : memref<!tpu.dma_semaphore, #tpu.memory_space<semaphore_mem>>)
    }
    %scan3A_190 = arith.constant 25 : i32
    %jit3A_191 = arith.constant 8 : i32
    %div3A_192 = arith.divsi %add3A_154, %jit3A_191 : i32
    %sign3A_193 = arith.constant 0 : i32
    %sign3A_194 = arith.cmpi sgt, %add3A_154, %sign3A_193 : i32
    %sign3A_195 = arith.extui %sign3A_194 : i1 to i32
    %sign3A_196 = arith.constant 0 : i32
    %sign3A_197 = arith.cmpi slt, %add3A_154, %sign3A_196 : i32
    %sign3A_198 = arith.extui %sign3A_197 : i1 to i32
    %sign3A_199 = arith.subi %sign3A_195, %sign3A_198 : i32
    %sign3A_200 = arith.constant 0 : i32
    %sign3A_201 = arith.cmpi sgt, %jit3A_191, %sign3A_200 : i32
    %sign3A_202 = arith.extui %sign3A_201 : i1 to i32
    %sign3A_203 = arith.constant 0 : i32
    %sign3A_204 = arith.cmpi slt, %jit3A_191, %sign3A_203 : i32
    %sign3A_205 = arith.extui %sign3A_204 : i1 to i32
    %sign3A_206 = arith.subi %sign3A_202, %sign3A_205 : i32
    %ne3A_207 = arith.cmpi ne, %sign3A_199, %sign3A_206 : i32
    %rem3A_208 = arith.remsi %add3A_154, %jit3A_191 : i32
    %ne3A_209 = arith.constant 0 : i32
    %ne3A_210 = arith.cmpi ne, %rem3A_208, %ne3A_209 : i32
    %and3A_211 = arith.andi %ne3A_207, %ne3A_210 : i1
    %sub3A_212 = arith.constant 1 : i32
    %sub3A_213 = arith.subi %div3A_192, %sub3A_212 : i32
    %select_n3A_214 = arith.select %and3A_211, %sub3A_213, %div3A_192 : i32
    %jit3A_215 = arith.constant 8 : i32
    %eq3A_216 = arith.constant 0 : i32
    %eq3A_217 = arith.cmpi eq, %jit3A_215, %eq3A_216 : i32
    %jit3A_218 = arith.constant 1 : i32
    %select_n3A_219 = arith.select %eq3A_217, %jit3A_218, %jit3A_215 : i32
    %rem3A_220 = arith.remsi %add3A_154, %select_n3A_219 : i32
    %ne3A_221 = arith.constant 0 : i32
    %ne3A_222 = arith.cmpi ne, %rem3A_220, %ne3A_221 : i32
    %lt3A_223 = arith.constant 0 : i32
    %lt3A_224 = arith.cmpi slt, %rem3A_220, %lt3A_223 : i32
    %lt3A_225 = arith.constant 0 : i32
    %lt3A_226 = arith.cmpi slt, %select_n3A_219, %lt3A_225 : i32
    %ne3A_227 = arith.xori %lt3A_224, %lt3A_226 : i1
    %and3A_228 = arith.andi %ne3A_227, %ne3A_222 : i1
    %add3A_229 = arith.addi %rem3A_220, %select_n3A_219 : i32
    %select_n3A_230 = arith.select %and3A_228, %add3A_229, %rem3A_220 : i32
    %mul3A_231 = arith.constant 128 : i32
    %mul3A_232 = arith.muli %select_n3A_230, %mul3A_231 : i32
    %multiple_of3A_233 = tpu.assume_multiple %mul3A_232, 128 : i32
    %dma_wait3A_234 = arith.constant 0 : i32
    %dma_wait3A_235 = arith.constant 48 : i32
    %dma_wait3A_236 = arith.constant 0 : i32
    %dma_wait3A_237 = arith.constant 0 : i32
    %dma_wait3A_238 = arith.constant 0 : i32
    %dma_wait3A_239 = tpu.memref_slice %arg7[%dma_wait3A_234, %dma_wait3A_237, %dma_wait3A_238] : memref<2x32x128xf32, #tpu.memory_space<vmem>> -> memref<1x32x128xf32, #tpu.memory_space<vmem>>
    %dma_wait3A_240 = tpu.memref_squeeze %dma_wait3A_239 : memref<1x32x128xf32, #tpu.memory_space<vmem>> -> memref<32x128xf32, #tpu.memory_space<vmem>>
    %dma_wait3A_241 = arith.constant 0 : i32
    %dma_wait3A_242 = tpu.memref_slice %arg4[%dma_wait3A_235, %select_n3A_214, %dma_wait3A_241, %multiple_of3A_233] : memref<50x8x32x1024xf32, #tpu.memory_space<hbm>> -> memref<1x1x32x128xf32, #tpu.memory_space<hbm>>
    %dma_wait3A_243 = tpu.memref_squeeze %dma_wait3A_242 : memref<1x1x32x128xf32, #tpu.memory_space<hbm>> -> memref<32x128xf32, #tpu.memory_space<hbm>>
    %dma_wait3A_244 = tpu.memref_slice %arg9[%dma_wait3A_236] : memref<2x!tpu.dma_semaphore, #tpu.memory_space<semaphore_mem>> -> memref<1x!tpu.dma_semaphore, #tpu.memory_space<semaphore_mem>>
    %dma_wait3A_245 = tpu.memref_squeeze %dma_wait3A_244 : memref<1x!tpu.dma_semaphore, #tpu.memory_space<semaphore_mem>> -> memref<!tpu.dma_semaphore, #tpu.memory_space<semaphore_mem>>
    %dma_wait3A_246 = arith.constant 0 : i32
    %dma_wait3A_247 = tpu.memref_slice %arg4[%dma_wait3A_235, %select_n3A_214, %dma_wait3A_246, %multiple_of3A_233] : memref<50x8x32x1024xf32, #tpu.memory_space<hbm>> -> memref<1x1x32x128xf32, #tpu.memory_space<hbm>>
    %dma_wait3A_248 = tpu.memref_squeeze %dma_wait3A_247 : memref<1x1x32x128xf32, #tpu.memory_space<hbm>> -> memref<32x128xf32, #tpu.memory_space<hbm>>
    %dma_wait3A_249 = arith.constant 0 : i32
    %dma_wait3A_250 = arith.constant 0 : i32
    %dma_wait3A_251 = tpu.memref_slice %arg7[%dma_wait3A_234, %dma_wait3A_249, %dma_wait3A_250] : memref<2x32x128xf32, #tpu.memory_space<vmem>> -> memref<1x32x128xf32, #tpu.memory_space<vmem>>
    %dma_wait3A_252 = tpu.memref_squeeze %dma_wait3A_251 : memref<1x32x128xf32, #tpu.memory_space<vmem>> -> memref<32x128xf32, #tpu.memory_space<vmem>>
    tpu.wait_dma2 semaphore(%dma_wait3A_245 : memref<!tpu.dma_semaphore, #tpu.memory_space<semaphore_mem>>) src(%dma_wait3A_252 : memref<32x128xf32, #tpu.memory_space<vmem>>) dst(%dma_wait3A_248 : memref<32x128xf32, #tpu.memory_space<hbm>>)
    %jit3A_253 = arith.constant 8 : i32
    %div3A_254 = arith.divsi %add3A_154, %jit3A_253 : i32
    %sign3A_255 = arith.constant 0 : i32
    %sign3A_256 = arith.cmpi sgt, %add3A_154, %sign3A_255 : i32
    %sign3A_257 = arith.extui %sign3A_256 : i1 to i32
    %sign3A_258 = arith.constant 0 : i32
    %sign3A_259 = arith.cmpi slt, %add3A_154, %sign3A_258 : i32
    %sign3A_260 = arith.extui %sign3A_259 : i1 to i32
    %sign3A_261 = arith.subi %sign3A_257, %sign3A_260 : i32
    %sign3A_262 = arith.constant 0 : i32
    %sign3A_263 = arith.cmpi sgt, %jit3A_253, %sign3A_262 : i32
    %sign3A_264 = arith.extui %sign3A_263 : i1 to i32
    %sign3A_265 = arith.constant 0 : i32
    %sign3A_266 = arith.cmpi slt, %jit3A_253, %sign3A_265 : i32
    %sign3A_267 = arith.extui %sign3A_266 : i1 to i32
    %sign3A_268 = arith.subi %sign3A_264, %sign3A_267 : i32
    %ne3A_269 = arith.cmpi ne, %sign3A_261, %sign3A_268 : i32
    %rem3A_270 = arith.remsi %add3A_154, %jit3A_253 : i32
    %ne3A_271 = arith.constant 0 : i32
    %ne3A_272 = arith.cmpi ne, %rem3A_270, %ne3A_271 : i32
    %and3A_273 = arith.andi %ne3A_269, %ne3A_272 : i1
    %sub3A_274 = arith.constant 1 : i32
    %sub3A_275 = arith.subi %div3A_254, %sub3A_274 : i32
    %select_n3A_276 = arith.select %and3A_273, %sub3A_275, %div3A_254 : i32
    %jit3A_277 = arith.constant 8 : i32
    %eq3A_278 = arith.constant 0 : i32
    %eq3A_279 = arith.cmpi eq, %jit3A_277, %eq3A_278 : i32
    %jit3A_280 = arith.constant 1 : i32
    %select_n3A_281 = arith.select %eq3A_279, %jit3A_280, %jit3A_277 : i32
    %rem3A_282 = arith.remsi %add3A_154, %select_n3A_281 : i32
    %ne3A_283 = arith.constant 0 : i32
    %ne3A_284 = arith.cmpi ne, %rem3A_282, %ne3A_283 : i32
    %lt3A_285 = arith.constant 0 : i32
    %lt3A_286 = arith.cmpi slt, %rem3A_282, %lt3A_285 : i32
    %lt3A_287 = arith.constant 0 : i32
    %lt3A_288 = arith.cmpi slt, %select_n3A_281, %lt3A_287 : i32
    %ne3A_289 = arith.xori %lt3A_286, %lt3A_288 : i1
    %and3A_290 = arith.andi %ne3A_289, %ne3A_284 : i1
    %add3A_291 = arith.addi %rem3A_282, %select_n3A_281 : i32
    %select_n3A_292 = arith.select %and3A_290, %add3A_291, %rem3A_282 : i32
    %mul3A_293 = arith.constant 128 : i32
    %mul3A_294 = arith.muli %select_n3A_292, %mul3A_293 : i32
    %multiple_of3A_295 = tpu.assume_multiple %mul3A_294, 128 : i32
    %dma_wait3A_296 = arith.constant 1 : i32
    %dma_wait3A_297 = arith.constant 49 : i32
    %dma_wait3A_298 = arith.constant 1 : i32
    %dma_wait3A_299 = arith.constant 0 : i32
    %dma_wait3A_300 = arith.constant 0 : i32
    %dma_wait3A_301 = tpu.memref_slice %arg7[%dma_wait3A_296, %dma_wait3A_299, %dma_wait3A_300] : memref<2x32x128xf32, #tpu.memory_space<vmem>> -> memref<1x32x128xf32, #tpu.memory_space<vmem>>
    %dma_wait3A_302 = tpu.memref_squeeze %dma_wait3A_301 : memref<1x32x128xf32, #tpu.memory_space<vmem>> -> memref<32x128xf32, #tpu.memory_space<vmem>>
    %dma_wait3A_303 = arith.constant 0 : i32
    %dma_wait3A_304 = tpu.memref_slice %arg4[%dma_wait3A_297, %select_n3A_276, %dma_wait3A_303, %multiple_of3A_295] : memref<50x8x32x1024xf32, #tpu.memory_space<hbm>> -> memref<1x1x32x128xf32, #tpu.memory_space<hbm>>
    %dma_wait3A_305 = tpu.memref_squeeze %dma_wait3A_304 : memref<1x1x32x128xf32, #tpu.memory_space<hbm>> -> memref<32x128xf32, #tpu.memory_space<hbm>>
    %dma_wait3A_306 = tpu.memref_slice %arg9[%dma_wait3A_298] : memref<2x!tpu.dma_semaphore, #tpu.memory_space<semaphore_mem>> -> memref<1x!tpu.dma_semaphore, #tpu.memory_space<semaphore_mem>>
    %dma_wait3A_307 = tpu.memref_squeeze %dma_wait3A_306 : memref<1x!tpu.dma_semaphore, #tpu.memory_space<semaphore_mem>> -> memref<!tpu.dma_semaphore, #tpu.memory_space<semaphore_mem>>
    %dma_wait3A_308 = arith.constant 0 : i32
    %dma_wait3A_309 = tpu.memref_slice %arg4[%dma_wait3A_297, %select_n3A_276, %dma_wait3A_308, %multiple_of3A_295] : memref<50x8x32x1024xf32, #tpu.memory_space<hbm>> -> memref<1x1x32x128xf32, #tpu.memory_space<hbm>>
    %dma_wait3A_310 = tpu.memref_squeeze %dma_wait3A_309 : memref<1x1x32x128xf32, #tpu.memory_space<hbm>> -> memref<32x128xf32, #tpu.memory_space<hbm>>
    %dma_wait3A_311 = arith.constant 0 : i32
    %dma_wait3A_312 = arith.constant 0 : i32
    %dma_wait3A_313 = tpu.memref_slice %arg7[%dma_wait3A_296, %dma_wait3A_311, %dma_wait3A_312] : memref<2x32x128xf32, #tpu.memory_space<vmem>> -> memref<1x32x128xf32, #tpu.memory_space<vmem>>
    %dma_wait3A_314 = tpu.memref_squeeze %dma_wait3A_313 : memref<1x32x128xf32, #tpu.memory_space<vmem>> -> memref<32x128xf32, #tpu.memory_space<vmem>>
    tpu.wait_dma2 semaphore(%dma_wait3A_307 : memref<!tpu.dma_semaphore, #tpu.memory_space<semaphore_mem>>) src(%dma_wait3A_314 : memref<32x128xf32, #tpu.memory_space<vmem>>) dst(%dma_wait3A_310 : memref<32x128xf32, #tpu.memory_space<hbm>>)
    return
  }
}

</mosaic_0001>

<sc_bundles>
// kernel: kernel.3.cloned.1.call-start
scs
__scs_entry_jumppad:
0x0: {  	(pc) =	sbr.rel $0x88, $3  }
0x1: {  	(tag) =	ssettag $0x0;
	lr =	simm.s32 $0x1  }
0x2: {  	[smem:$0x3F9F] =	sst lr;
	_ =	strace $0xD0000000  }
0x3: {  	_ = 	snop  }
0x4: {  	_ = 	snop  }
0x5: {  	_ = 	snop  }
0x6: {  	_ = 	snop  }
0x7: {  	_ = 	snop  }
__scs_overlays_trampoline_lowered:
0x8: {  	[smem:$0x3FAE] =	sst s0  }
0x9: {  	[smem:$0x3FAF] =	sst s1  }
0xa: {  	[smem:$0x3FB0] =	sst s2  }
0xb: {  	[smem:$0x3FB1] =	sst s3  }
0xc: {  	[smem:$0x3FB2] =	sst s4  }
0xd: {  	[smem:$0x3FB3] =	sst s5  }
0xe: {  	[smem:$0x3FB4] =	sst s6  }
0xf: {  	[smem:$0x3FB5] =	sst s7  }
0x10: {  	[smem:$0x3FB6] =	sst s8  }
0x11: {  	[smem:$0x3FB7] =	sst s9;
	s0 =	simm.s32 @!p0 $0x0  }
0x12: {  	s1 =	sld [smem:$0x3F9D];
	s0 =	simm.s32 @p0 $0x1  }
0x13: {  	[smem:$0x3FB8] =	sst s0;
	s0 =	simm.s32 @!p1 $0x0  }
0x14: {  	s2 =	sld [smem:$0x3F9C];
	s0 =	simm.s32 @p1 $0x1  }
0x15: {  	[smem:$0x3FB9] =	sst s0;
	s0 =	simm.s32 @!p2 $0x0  }
0x16: {  	s3 =	sld [smem:$0x3FDB];
	s0 =	simm.s32 @p2 $0x1  }
0x17: {  	s4 =	simm.s32 $0x1BF5;
	[smem:$0x3FBB] =	sst s0  }
0x18: {  	s0 =	sld [smem:$0x3F9E];
	_ =	swait.ge [sflag:s4], $0x0  }
0x19: {  	s7 =	sld [smem:$0x3F9F]  }
0x1a: {  	s8 =	sadd.s32 $0xFFFFE003, lr  }
0x1b: {  	s9 =	sadd.s32 $0xFFFFFEF7, lr;
	s5 =	simm.s32 $0xFFFFFFFF;
	p2 =	slt.u32 s8, $0xFFFFF086  }
0x1c: {  	p1 =	slt.u32 s9, $0xF7A;
	s5 =	simm.s32 @!p2 $0x0  }
0x1d: {  	s5 =	simm.s32 @p1 $0x1;
	p0 =	seq.s32 s7, s2  }
0x1e: {  	s7 =	smul.u32 @!p0 $0xF7A, s2;
	p2 =	seq.s32 @!p0 s5, $0x0  }
0x1f: {  	s9 =	smul.u32 $0xF7A, s1;
	s8 =	simm.s32 @!p0 $0x1BF5;
	p2 =	por !p2, p0  }
0x20: {  	[sflag:s8] =	ssyncset.s32 @!p0 $0xFFFFF086;
	s6 =	sadd.s32 @!p0 s3, s7;
	s7 =	simm.s32 @!p0 $0x108  }
0x21: {  	s3 =	sadd.s32 s3, s9;
	s6 =	sadd.s32 @!p0 $0x88, s6;
	s7 =	simm.s32 @p2 $0x1082  }
0x22: {  	[simem:s7], [sflag:s8] =	dma.local @!p0 [hbm:s6], $0xF7A  }
0x23: {  	s9 =	sor.u32 $0xD0000000, s2;
	s6 =	simm.s32 $0x108;
	_ =	swait.ge @!p0 [sflag:s8], $0x0  }
0x24: {  	s3 =	sadd.s32 $0x88, s3;
	s6 =	simm.s32 @!p1 $0x1082;
	[sflag:s4] =	ssyncset.s32 $0xFFFFF086  }
0x25: {  	[simem:s6], [sflag:s4] =	dma.local [hbm:s3], $0xF7A  }
0x26: {  	[smem:$0x3F9F] =	sst s1;
	(tag) =	ssettag s2;
	_ =	strace s9  }
0x27: {  	s1 =	sld [smem:$0x3FAF]  }
0x28: {  	s2 =	sld [smem:$0x3FB0]  }
0x29: {  	s4 =	sld [smem:$0x3FB2]  }
0x2a: {  	p0 =	seq.s32 s5, $0x0;
	s5 =	sld [smem:$0x3FB3]  }
0x2b: {  	s6 =	sld [smem:$0x3FB4]  }
0x2c: {  	s7 =	sld [smem:$0x3FB5]  }
0x2d: {  	s3 =	simm.s32 $0x108;
	s8 =	sld [smem:$0x3FB6]  }
0x2e: {  	s3 =	simm.s32 @!p0 $0x1082;
	s9 =	sld [smem:$0x3FB7]  }
0x2f: {  	lr =	sadd.s32 s0, s3;
	s0 =	sld [smem:$0x3FAE]  }
0x30: {  	s3 =	sld [smem:$0x3FB1]  }
0x31: {  	[smem:$0x3FBA] =	sst s10  }
0x32: {  	s10 =	sld [smem:$0x3FB8];
	_ =	sdelay $0x3  }
0x33: {  	p0 =	seq.s32 s10, $0x1;
	s10 =	sld [smem:$0x3FBA];
	_ =	sdelay $0x3  }
0x34: {  	[smem:$0x3FBA] =	sst s10  }
0x35: {  	s10 =	sld [smem:$0x3FB9];
	_ =	sdelay $0x3  }
0x36: {  	p1 =	seq.s32 s10, $0x1;
	s10 =	sld [smem:$0x3FBA];
	_ =	sdelay $0x3  }
0x37: {  	[smem:$0x3FBA] =	sst s10  }
0x38: {  	s10 =	sld [smem:$0x3FBB]  }
0x39: {  	_ = 	snop;
	(pc) =	sbr.ind lr, $3  }
0x3a: {  	_ = 	snop  }
0x3b: {  	_ = 	snop  }
0x3c: {  	p2 =	seq.s32 s10, $0x1;
	s10 =	sld [smem:$0x3FBA]  }
0x3d: {  	_ =	shalt  }
0x3e: {  	_ =	shalt  }
0x3f: {  	_ =	shalt  }
0x40: {  	_ =	shalt  }
0x41: {  	_ =	shalt  }
0x42: {  	_ =	shalt  }
0x43: {  	_ =	shalt  }
0x44: {  	_ =	shalt  }
0x45: {  	_ =	shalt  }
0x46: {  	_ =	shalt  }
0x47: {  	_ =	shalt  }
0x48: {  	_ =	shalt  }
0x49: {  	_ =	shalt  }
0x4a: {  	_ =	shalt  }
0x4b: {  	_ =	shalt  }
0x4c: {  	_ =	shalt  }
0x4d: {  	_ =	shalt  }
0x4e: {  	_ =	shalt  }
0x4f: {  	_ =	shalt  }
0x50: {  	_ =	shalt  }
0x51: {  	_ =	shalt  }
0x52: {  	_ =	shalt  }
0x53: {  	_ =	shalt  }
0x54: {  	_ =	shalt  }
0x55: {  	_ =	shalt  }
0x56: {  	_ =	shalt  }
0x57: {  	_ =	shalt  }
0x58: {  	_ =	shalt  }
0x59: {  	_ =	shalt  }
0x5a: {  	_ =	shalt  }
0x5b: {  	_ =	shalt  }
0x5c: {  	_ =	shalt  }
0x5d: {  	_ =	shalt  }
0x5e: {  	_ =	shalt  }
0x5f: {  	_ =	shalt  }
0x60: {  	_ =	shalt  }
0x61: {  	_ =	shalt  }
0x62: {  	_ =	shalt  }
0x63: {  	_ =	shalt  }
0x64: {  	_ =	shalt  }
0x65: {  	_ =	shalt  }
0x66: {  	_ =	shalt  }
0x67: {  	_ =	shalt  }
0x68: {  	_ =	shalt  }
0x69: {  	_ =	shalt  }
0x6a: {  	_ =	shalt  }
0x6b: {  	_ =	shalt  }
0x6c: {  	_ =	shalt  }
0x6d: {  	_ =	shalt  }
0x6e: {  	_ =	shalt  }
0x6f: {  	_ =	shalt  }
0x70: {  	_ =	shalt  }
0x71: {  	_ =	shalt  }
0x72: {  	_ =	shalt  }
0x73: {  	_ =	shalt  }
0x74: {  	_ =	shalt  }
0x75: {  	_ =	shalt  }
0x76: {  	_ =	shalt  }
0x77: {  	_ =	shalt  }
0x78: {  	_ =	shalt  }
0x79: {  	_ =	shalt  }
0x7a: {  	_ =	shalt  }
0x7b: {  	_ =	shalt  }
0x7c: {  	_ =	shalt  }
0x7d: {  	_ =	shalt  }
0x7e: {  	_ =	shalt  }
0x7f: {  	_ =	shalt  }
0x80: {  	_ =	shalt  }
0x81: {  	_ =	shalt  }
0x82: {  	_ =	shalt  }
0x83: {  	_ =	shalt  }
0x84: {  	_ =	shalt  }
0x85: {  	_ =	shalt  }
0x86: {  	_ =	shalt  }
0x87: {  	_ =	shalt  }
.Lfunc_end0:
.L_simem_size_0:
called_computation_lowered:
.L_overlay_start_0:
0x88: {  	s2 =	sld [smem:$0x3FD9]  }
0x89: {  	s3 =	sld [smem:$0x3FFE];
	_ =	sdelay $0x1  }
0x8a: {  	s1 =	srdreg.scid  }
0x8b: {  	s0 =	sand.u32 $0x1, s1  }
0x8c: {  	s17 =	sshll.u32 s0, $0xA;
	s2 =	sadd.s32 s3, s2  }
0x8d: {  	s2 =	sadd.s32 s2, s17  }
0x8e: {  	[smem:$0x3FC6] =	sst s2  }
0x8f: {  	_ = 	snop  }
0x90: {  	s2 =	sld [smem:$0x3FD0];
	(tm) =	ssettm $0x1  }
0x91: {  	s18 =	sld [smem:$0x3FFB];
	_ =	sdelay $0x3  }
0x92: {  	_ =	strace s18  }
0x93: {  	s3 =	sld [smem:$0x3FFC];
	_ =	sdelay $0x3  }
0x94: {  	_ =	strace s3  }
0x95: {  	s3 =	sld [smem:$0x3FFD];
	_ =	sdelay $0x3  }
0x96: {  	_ =	strace s3  }
0x97: {  	_ =	strace $0x8FFFFFFF  }
0x98: {  	s19 =	sld [smem:$0x3FDB];
	_ =	sdelay $0x1  }
0x99: {  	s4 =	simm.s32 $_scs_section_size  }
0x9a: {  	s5 =	simm.s32 $_size__tile_overlayer_lowered;
	s6 =	simm.s32 $_tile_overlayer_lowered  }
0x9b: {  	s22 =	simm.s32 $0x1BFF;
	s21 =	sshll.u32 s6, $0x1;
	s3 =	sadd.s32 s4, s19  }
0x9c: {  	s7 =	simm.s32 $0x0;
	s20 =	sshll.u32 s5, $0x1;
	s5 =	sadd.s32 s21, s3  }
0x9d: {  	[timem:s7], [sflag:s22] =	dma.local [hbm:s5], s20  }
0x9e: {  	_ =	swait.ge [sflag:s22], s20  }
0x9f: {  	s4 =	ssub.s32 $0x0, s20;
	[sflag:s22] =	ssyncset.done $0x0  }
0xa0: {  	[sflag:s22] =	ssyncadd.s32 s4;
	_ =	sdelay $0x1  }
0xa1: {  	s23 =	simm.s32 $0x1B8B  }
0xa2: {  	_ =	swait.ge [sflag:s23], $0x1  }
0xa3: {  	[sflag:s23] =	ssyncset.done $0x0  }
0xa4: {  	s25 =	simm.s32 $0x1B8E;
	s24 =	sld [smem:$0x3FFE];
	[sflag:s23] =	ssyncadd.s32 $0xFFFFFFFF  }
0xa5: {  	s26 =	simm.s32 $execute0_lowered;
	[smem:$0x3FD2] =	sst s25  }
0xa6: {  	s5 =	sshll.u32 s26, $0x1;
	_ =	strace $0x80000046;
	[dreg:$0x1] =	wrdreg $0xFFFFFFFF  }
0xa7: {  	s28 =	simm.s32 $_size_execute0_lowered;
	s3 =	sadd.s32 s3, s5;
	[dreg:$0x0] =	wrdreg $0x0  }
0xa8: {  	s5 =	sshll.u32 s28, $0x1;
	[dreg:$0x2] =	wrdreg s3  }
0xa9: {  	[dreg:$0x3] =	wrdreg s5  }
0xaa: {  	[dreg:$0x4] =	wrdreg $0xC0  }
0xab: {  	_ =	task [dreg:s7], $0x5FFFF  }
0xac: {  	[dreg:$0x1] =	wrdreg $0xFFFFFFFF  }
0xad: {  	[dreg:$0x0] =	wrdreg $0x60  }
0xae: {  	[dreg:$0x2] =	wrdreg s24  }
0xaf: {  	[dreg:$0x3] =	wrdreg s2  }
0xb0: {  	[dreg:$0x4] =	wrdreg $0x9  }
0xb1: {  	_ =	task.clear_ibuf [dreg:s7], $0x5FFFF;
	_ =	strace $0x90000046  }
0xb2: {  	s29 =	simm.s32 $0x9;
	_ =	strace $0x80000048  }
0xb3: {  	_ =	swait.ge [sflag:s29], $0x1  }
0xb4: {  	[sflag:s29] =	ssyncadd.s32 $0xFFFFFFFF  }
0xb5: {  	_ =	strace $0x90000048  }
0xb6: {  	_ =	sfence  }
0xb7: {  	s30 =	sld [smem:$0x0];
	_ =	sdelay $0x2  }
0xb8: {  	s31 =	sshll.u32 s1, $0xD;
	s1 =	sshrl.u32 s1, $0x2  }
0xb9: {  	s3 =	sand.u32 $0x4000, s31;
	s1 =	sadd.s32 s1, s30  }
0xba: {  	s0 =	sor.u32 s3, s0;
	s1 =	sshll.u32 s1, $0x11  }
0xbb: {  	s0 =	sor.u32 s1, s0  }
0xbc: {  	s0 =	sadd.s32 $0x8F2B, s0  }
0xbd: {  	[sflag:s0] =	ssyncadd.remote.s32 $0x1  }
0xbe: {  	_ =	sfence.sel $0xFFFF  }
0xbf: {  	[dreg:$0x0] =	wrdreg $0xFFFFFFFF;
	(pc) =	sbr.abs _section_cstart, $3  }
0xc0: {  	[dreg:$0x1] =	wrdreg $0xFFFFFFFF  }
0xc1: {  	_ =	task.clear_ibuf [dreg:s7], $0x2FFFF;
	_ =	strace $0x9FFFFFFF  }
0xc2: {  	(tm) =	ssettm $0x7FFFFFFF  }
0xc3: {  	_ =	shalt  }
tec
execute0_lowered:
.L_overlay_start_1:
0x0: {  	(tag) =	ssettag $0x1  }
0x1: {  	s0 =	rddreg [dreg:$0x0]  }
0x2: {  	s2 =	rddreg [dreg:$0x1]  }
0x3: {  	s1 =	srdreg.scid;
	s9 =	stileid.u32  }
0x4: {  	s3 =	simm.s32 $0x0;
	s15 =	simm.s32 $0x5;
	s16 =	simm.s32 $0x186A0  }
0x5: {  	s17 =	simm.s32 $0x196A0;
	s18 =	simm.s32 $0x1;
	s19 =	simm.s32 $0x80  }
0x6: {  	s20 =	simm.s32 $0x400;
	s21 =	simm.s32 $0x1A6A0;
	s22 =	simm.s32 $0x2  }
0x7: {  	s23 =	simm.s32 $0x1B6A0;
	s24 =	simm.s32 $0x3;
	s25 =	simm.s32 $0x4  }
0x8: {  	s26 =	simm.s32 $0x0;
	s1 =	sand.u32 $0x1, s1;
	s4 =	sshll.u32 s9, $0x1  }
0x9: {  	[smem:$0x7FF] =	sst s3;
	s12 =	sadd.s32 $0x6800, s0;
	s9 =	sshll.u32 s9, $0xB  }
0xa: {  	s10 =	sadd.s32 $0xA00, s0;
	s11 =	sadd.s32 $0x8000, s2;
	s5 =	ssub.s32 $0x2, s1  }
0xb: {  	s1 =	sor.u32 s1, s4;
	_ =	strace $0x80000047;
	s4 =	sadd.s32 $0x400, s0  }
0xc: {  	s9 =	sand.u32 $0x7000, s9;
	s6 =	sshrl.u32 s5, $0x1;
	s7 =	smul.u32 $0x61A8, s1  }
0xd: {  	s8 =	sshll.u32 s1, $0x5;
	s1 =	sshllo.u32 s1, $0x1;
	s14 =	ssub.s32 s5, s6  }
0xe: {  	s6 =	sadd.s32 $0x600, s0;
	s8 =	sand.u32 $0x60, s8;
	s13 =	smul.u32 $0x30D4, s1  }
0xf: {  	s31 =	sshll.u32 s1, $0x4;
	s5 =	sadd.s32 s12, s7;
	s7 =	sadd.s32 $0x800, s0  }
0x10: {  	s14 =	smax.u32 s14, $0x1;
	s12 =	sadd.s32 s12, s13;
	s13 =	sand.u32 $0x70, s31  }
.LBB2_1:
0x11: {  	[tilespmem:s3], [sflag:$0x5] =	stream.linear.gather [hbm4b:s5+s3], $0x186A0, $0x38;
	[tilespmem:$0x1C6A0] =	vst v63  }
0x12: {  	_ =	swait.ge [sflag:s15], $0x186A0  }
0x13: {  	[sflag:s15] =	ssyncset.done $0x0  }
0x14: {  	[sflag:s15] =	ssyncadd.s32 $0xFFFE7960  }
0x15: {  	[tilespmem:s16], [sflag:$0x1] =	stream.linear.gather [hbm4b:s4+s3], $0x1000, $0x38;
	[tilespmem:$0x1C6A0] =	vst v63  }
0x16: {  	s28 =	simm.s32 $0x0  }
0x17: {  	[tilespmem:s17], [sflag:$0x2] =	stream.linear.gather [hbm4b:s6+s3], $0x1000, $0x38;
	[tilespmem:$0x1C6A0] =	vst v63  }
.LBB2_2:
0x18: {  	_ =	swait.ge [sflag:s18], $0x1000  }
0x19: {  	p0 =	seq.s32 s28, $0x0;
	[sflag:s18] =	ssyncset.done $0x0  }
0x1a: {  	s0 =	simm.s32 @!p0 $0x3;
	[sflag:s18] =	ssyncadd.s32 $0xFFFFF000  }
0x1b: {  	_ =	swait.ge @!p0 [sflag:s0], $0x1000  }
0x1c: {  	[sflag:s0] =	ssyncset.done @!p0 $0x0  }
0x1d: {  	s1 =	simm.s32 $0x187A0;
	[sflag:s0] =	ssyncadd.s32 @!p0 $0xFFFFF000  }
0x1e: {  	v0 =	vld [tilespmem:s1+$0xF0]  }
0x1f: {  	v1 =	vld [tilespmem:s1+$0xFFFFFF10]  }
0x20: {  	v2 =	vld [tilespmem:s1+$0xFFFFFF20]  }
0x21: {  	v3 =	vld [tilespmem:s1+$0xFFFFFF30]  }
0x22: {  	v4 =	vld [tilespmem:s1+$0xFFFFFF40]  }
0x23: {  	v5 =	vld [tilespmem:s1+$0xFFFFFF50]  }
0x24: {  	v6 =	vld [tilespmem:s1+$0xFFFFFF60]  }
0x25: {  	v7 =	vld [tilespmem:s1+$0xFFFFFF70]  }
0x26: {  	v8 =	vld [tilespmem:s1+$0xFFFFFF80]  }
0x27: {  	v9 =	vld [tilespmem:s1+$0xFFFFFF90]  }
0x28: {  	v10 =	vld [tilespmem:s1+$0xFFFFFFA0]  }
0x29: {  	v11 =	vld [tilespmem:s1+$0xFFFFFFB0]  }
0x2a: {  	v12 =	vld [tilespmem:s1+$0xFFFFFFC0]  }
0x2b: {  	v13 =	vld [tilespmem:s1+$0xFFFFFFD0]  }
0x2c: {  	v14 =	vld [tilespmem:s1+$0xFFFFFFE0]  }
0x2d: {  	v15 =	vld [tilespmem:s1+$0xFFFFFFF0]  }
0x2e: {  	v16 =	vld [tilespmem:s1+$0x0]  }
0x2f: {  	v17 =	vld [tilespmem:s1+$0x10]  }
0x30: {  	v18 =	vld [tilespmem:s1+$0x20]  }
0x31: {  	v19 =	vld [tilespmem:s1+$0x30]  }
0x32: {  	v20 =	vld [tilespmem:s1+$0x40]  }
0x33: {  	v21 =	vld [tilespmem:s1+$0x50]  }
0x34: {  	v22 =	vld [tilespmem:s1+$0x60]  }
0x35: {  	v23 =	vld [tilespmem:s1+$0x70]  }
0x36: {  	v24 =	vld [tilespmem:s1+$0x80]  }
0x37: {  	v25 =	vld [tilespmem:s1+$0x90]  }
0x38: {  	v26 =	vld [tilespmem:s1+$0xA0]  }
0x39: {  	v27 =	vld [tilespmem:s1+$0xB0]  }
0x3a: {  	v28 =	vld [tilespmem:s1+$0xC0]  }
0x3b: {  	v29 =	vld [tilespmem:s1+$0xD0]  }
0x3c: {  	v30 =	vld [tilespmem:s1+$0xE0]  }
0x3d: {  	v31 =	vld [tilespmem:s1+$0xFFFFFF00]  }
0x3e: {  	v0 =	vld.idx.msk [tilespmem:v0+s3+$0x0], $0xffff  }
0x3f: {  	v1 =	vld.idx.msk [tilespmem:v1+s3+$0x0], $0xffff  }
0x40: {  	v2 =	vld.idx.msk [tilespmem:v2+s3+$0x0], $0xffff  }
0x41: {  	v3 =	vld.idx.msk [tilespmem:v3+s3+$0x0], $0xffff  }
0x42: {  	v4 =	vld.idx.msk [tilespmem:v4+s3+$0x0], $0xffff  }
0x43: {  	s30 =	simm.s32 $0x1A7A0;
	v5 =	vld.idx.msk [tilespmem:v5+s3+$0x0], $0xffff  }
0x44: {  	[tilespmem:s30+$0xF0] =	vst v0;
	v0 =	vld.idx.msk [tilespmem:v6+s3+$0x0], $0xffff  }
0x45: {  	[tilespmem:s30+$0xFFFFFF10] =	vst v1;
	v1 =	vld.idx.msk [tilespmem:v7+s3+$0x0], $0xffff  }
0x46: {  	v6 =	vld.idx.msk [tilespmem:v31+s3+$0x0], $0xffff;
	[tilespmem:s30+$0xFFFFFF20] =	vst v2  }
0x47: {  	[tilespmem:s30+$0xFFFFFF30] =	vst v3;
	v2 =	vld.idx.msk [tilespmem:v8+s3+$0x0], $0xffff  }
0x48: {  	[tilespmem:s30+$0xFFFFFF40] =	vst v4;
	v3 =	vld.idx.msk [tilespmem:v9+s3+$0x0], $0xffff  }
0x49: {  	[tilespmem:s30+$0xFFFFFF50] =	vst v5;
	v4 =	vld.idx.msk [tilespmem:v10+s3+$0x0], $0xffff  }
0x4a: {  	v5 =	vld.idx.msk [tilespmem:v13+s3+$0x0], $0xffff;
	[tilespmem:s30+$0xFFFFFF60] =	vst v0  }
0x4b: {  	v7 =	vld.idx.msk [tilespmem:v24+s3+$0x0], $0xffff;
	[tilespmem:s30+$0xFFFFFF70] =	vst v1  }
0x4c: {  	v0 =	vld.idx.msk [tilespmem:v11+s3+$0x0], $0xffff;
	[tilespmem:s30+$0xFFFFFF00] =	vst v6  }
0x4d: {  	v1 =	vld.idx.msk [tilespmem:v12+s3+$0x0], $0xffff;
	[tilespmem:s30+$0xFFFFFF80] =	vst v2  }
0x4e: {  	v2 =	vld.idx.msk [tilespmem:v14+s3+$0x0], $0xffff;
	[tilespmem:s30+$0xFFFFFF90] =	vst v3  }
0x4f: {  	v3 =	vld.idx.msk [tilespmem:v15+s3+$0x0], $0xffff;
	[tilespmem:s30+$0xFFFFFFA0] =	vst v4  }
0x50: {  	v4 =	vld.idx.msk [tilespmem:v16+s3+$0x0], $0xffff;
	[tilespmem:s30+$0xFFFFFFD0] =	vst v5  }
0x51: {  	v5 =	vld.idx.msk [tilespmem:v19+s3+$0x0], $0xffff;
	[tilespmem:s30+$0x80] =	vst v7  }
0x52: {  	v6 =	vld.idx.msk [tilespmem:v23+s3+$0x0], $0xffff;
	[tilespmem:s30+$0xFFFFFFB0] =	vst v0  }
0x53: {  	v0 =	vld.idx.msk [tilespmem:v17+s3+$0x0], $0xffff;
	[tilespmem:s30+$0xFFFFFFC0] =	vst v1  }
0x54: {  	v1 =	vld.idx.msk [tilespmem:v18+s3+$0x0], $0xffff;
	[tilespmem:s30+$0xFFFFFFE0] =	vst v2  }
0x55: {  	v2 =	vld.idx.msk [tilespmem:v20+s3+$0x0], $0xffff;
	[tilespmem:s30+$0xFFFFFFF0] =	vst v3  }
0x56: {  	v3 =	vld.idx.msk [tilespmem:v21+s3+$0x0], $0xffff;
	[tilespmem:s30+$0x0] =	vst v4  }
0x57: {  	v4 =	vld.idx.msk [tilespmem:v22+s3+$0x0], $0xffff;
	[tilespmem:s30+$0x30] =	vst v5  }
0x58: {  	[tilespmem:s30+$0x70] =	vst v6;
	v5 =	vld.idx.msk [tilespmem:v30+s3+$0x0], $0xffff  }
0x59: {  	[tilespmem:s30+$0x10] =	vst v0;
	v0 =	vld.idx.msk [tilespmem:v25+s3+$0x0], $0xffff  }
0x5a: {  	[tilespmem:s30+$0x20] =	vst v1;
	v1 =	vld.idx.msk [tilespmem:v26+s3+$0x0], $0xffff  }
0x5b: {  	[tilespmem:s30+$0x40] =	vst v2;
	v2 =	vld.idx.msk [tilespmem:v27+s3+$0x0], $0xffff  }
0x5c: {  	[tilespmem:s30+$0x50] =	vst v3;
	v3 =	vld.idx.msk [tilespmem:v28+s3+$0x0], $0xffff  }
0x5d: {  	s31 =	sshll.u32 s28, $0x10;
	s29 =	simm.s32 $0x0;
	s0 =	simm.s32 $0x189A0;
	[tilespmem:s30+$0x60] =	vst v4;
	v4 =	vld.idx.msk [tilespmem:v29+s3+$0x0], $0xffff  }
.LBB2_3:
0x5e: {  	v6 =	vld [tilespmem:s0+$0xF0];
	s29 =	sadd.s32 $0x200, s29;
	[tilespmem:s30+$0x90] =	vst v0  }
0x5f: {  	v0 =	vld [tilespmem:s0+$0xFFFFFF10];
	p1 =	slt.u32 s29, $0xE00;
	[tilespmem:s30+$0xA0] =	vst v1  }
0x60: {  	v1 =	vld [tilespmem:s0+$0xFFFFFF20];
	[tilespmem:s30+$0xB0] =	vst v2  }
0x61: {  	v2 =	vld [tilespmem:s0+$0xFFFFFF30];
	[tilespmem:s30+$0xC0] =	vst v3  }
0x62: {  	v3 =	vld [tilespmem:s0+$0xFFFFFF40];
	[tilespmem:s30+$0xD0] =	vst v4  }
0x63: {  	v4 =	vld [tilespmem:s0+$0xFFFFFF50];
	[tilespmem:s30+$0xE0] =	vst v5  }
0x64: {  	v5 =	vld [tilespmem:s0+$0xFFFFFF60]  }
0x65: {  	v7 =	vld [tilespmem:s0+$0xFFFFFF70]  }
0x66: {  	v6 =	vld.idx.msk [tilespmem:v6+s3+$0x0], $0xffff  }
0x67: {  	v8 =	vld [tilespmem:s0+$0xFFFFFF80]  }
0x68: {  	v9 =	vld [tilespmem:s0+$0xFFFFFF90]  }
0x69: {  	v10 =	vld [tilespmem:s0+$0xFFFFFFA0]  }
0x6a: {  	v11 =	vld [tilespmem:s0+$0xFFFFFFB0]  }
0x6b: {  	s30 =	sadd.s32 $0x200, s30;
	v12 =	vld [tilespmem:s0+$0xFFFFFFC0]  }
0x6c: {  	v13 =	vld [tilespmem:s0+$0xFFFFFFD0];
	[tilespmem:s30+$0xF0] =	vst v6  }
0x6d: {  	v6 =	vld [tilespmem:s0+$0xFFFFFFE0]  }
0x6e: {  	v14 =	vld [tilespmem:s0+$0xFFFFFFF0]  }
0x6f: {  	v15 =	vld [tilespmem:s0+$0x0]  }
0x70: {  	v16 =	vld [tilespmem:s0+$0x10]  }
0x71: {  	v17 =	vld [tilespmem:s0+$0x20]  }
0x72: {  	v18 =	vld [tilespmem:s0+$0x30]  }
0x73: {  	v19 =	vld [tilespmem:s0+$0x40]  }
0x74: {  	v20 =	vld [tilespmem:s0+$0x50]  }
0x75: {  	v21 =	vld [tilespmem:s0+$0x60]  }
0x76: {  	v22 =	vld [tilespmem:s0+$0x70]  }
0x77: {  	v23 =	vld [tilespmem:s0+$0x80]  }
0x78: {  	v24 =	vld [tilespmem:s0+$0x90]  }
0x79: {  	v25 =	vld [tilespmem:s0+$0xA0]  }
0x7a: {  	v26 =	vld [tilespmem:s0+$0xB0]  }
0x7b: {  	v27 =	vld [tilespmem:s0+$0xC0]  }
0x7c: {  	v28 =	vld [tilespmem:s0+$0xD0]  }
0x7d: {  	v29 =	vld [tilespmem:s0+$0xE0]  }
0x7e: {  	v30 =	vld [tilespmem:s0+$0xFFFFFF00]  }
0x7f: {  	v0 =	vld.idx.msk [tilespmem:v0+s3+$0x0], $0xffff  }
0x80: {  	v1 =	vld.idx.msk [tilespmem:v1+s3+$0x0], $0xffff  }
0x81: {  	v2 =	vld.idx.msk [tilespmem:v2+s3+$0x0], $0xffff  }
0x82: {  	v3 =	vld.idx.msk [tilespmem:v3+s3+$0x0], $0xffff  }
0x83: {  	v4 =	vld.idx.msk [tilespmem:v4+s3+$0x0], $0xffff  }
0x84: {  	v5 =	vld.idx.msk [tilespmem:v5+s3+$0x0], $0xffff  }
0x85: {  	[tilespmem:s30+$0xFFFFFF10] =	vst v0;
	v0 =	vld.idx.msk [tilespmem:v7+s3+$0x0], $0xffff  }
0x86: {  	v7 =	vld.idx.msk [tilespmem:v30+s3+$0x0], $0xffff;
	[tilespmem:s30+$0xFFFFFF20] =	vst v1  }
0x87: {  	[tilespmem:s30+$0xFFFFFF30] =	vst v2;
	v1 =	vld.idx.msk [tilespmem:v8+s3+$0x0], $0xffff  }
0x88: {  	[tilespmem:s30+$0xFFFFFF40] =	vst v3;
	v2 =	vld.idx.msk [tilespmem:v9+s3+$0x0], $0xffff  }
0x89: {  	[tilespmem:s30+$0xFFFFFF50] =	vst v4;
	v3 =	vld.idx.msk [tilespmem:v10+s3+$0x0], $0xffff  }
0x8a: {  	[tilespmem:s30+$0xFFFFFF60] =	vst v5;
	v4 =	vld.idx.msk [tilespmem:v11+s3+$0x0], $0xffff  }
0x8b: {  	[tilespmem:s30+$0xFFFFFF70] =	vst v0;
	v0 =	vld.idx.msk [tilespmem:v12+s3+$0x0], $0xffff  }
0x8c: {  	[tilespmem:s30+$0xFFFFFF00] =	vst v7;
	v5 =	vld.idx.msk [tilespmem:v13+s3+$0x0], $0xffff  }
0x8d: {  	[tilespmem:s30+$0xFFFFFF80] =	vst v1;
	v1 =	vld.idx.msk [tilespmem:v6+s3+$0x0], $0xffff  }
0x8e: {  	[tilespmem:s30+$0xFFFFFF90] =	vst v2;
	v2 =	vld.idx.msk [tilespmem:v14+s3+$0x0], $0xffff  }
0x8f: {  	[tilespmem:s30+$0xFFFFFFA0] =	vst v3;
	v3 =	vld.idx.msk [tilespmem:v15+s3+$0x0], $0xffff  }
0x90: {  	[tilespmem:s30+$0xFFFFFFB0] =	vst v4;
	v4 =	vld.idx.msk [tilespmem:v16+s3+$0x0], $0xffff  }
0x91: {  	[tilespmem:s30+$0xFFFFFFC0] =	vst v0;
	v0 =	vld.idx.msk [tilespmem:v17+s3+$0x0], $0xffff  }
0x92: {  	[tilespmem:s30+$0xFFFFFFD0] =	vst v5;
	v5 =	vld.idx.msk [tilespmem:v18+s3+$0x0], $0xffff  }
0x93: {  	[tilespmem:s30+$0xFFFFFFE0] =	vst v1;
	v1 =	vld.idx.msk [tilespmem:v19+s3+$0x0], $0xffff  }
0x94: {  	[tilespmem:s30+$0xFFFFFFF0] =	vst v2;
	v2 =	vld.idx.msk [tilespmem:v20+s3+$0x0], $0xffff  }
0x95: {  	[tilespmem:s30+$0x0] =	vst v3;
	v3 =	vld.idx.msk [tilespmem:v21+s3+$0x0], $0xffff  }
0x96: {  	[tilespmem:s30+$0x10] =	vst v4;
	v4 =	vld.idx.msk [tilespmem:v22+s3+$0x0], $0xffff  }
0x97: {  	[tilespmem:s30+$0x20] =	vst v0;
	v6 =	vld.idx.msk [tilespmem:v23+s3+$0x0], $0xffff  }
0x98: {  	[tilespmem:s30+$0x30] =	vst v5;
	v0 =	vld.idx.msk [tilespmem:v24+s3+$0x0], $0xffff  }
.Ltmp0:
0x99: {  	[tilespmem:s30+$0x40] =	vst v1;
	v1 =	vld.idx.msk [tilespmem:v25+s3+$0x0], $0xffff;
	(pc) =	sbr.rel @p1 .LBB2_3-.Ltmp0, $4  }
0x9a: {  	[tilespmem:s30+$0x50] =	vst v2;
	v2 =	vld.idx.msk [tilespmem:v26+s3+$0x0], $0xffff  }
0x9b: {  	[tilespmem:s30+$0x60] =	vst v3;
	v3 =	vld.idx.msk [tilespmem:v27+s3+$0x0], $0xffff  }
0x9c: {  	[tilespmem:s30+$0x70] =	vst v4;
	v4 =	vld.idx.msk [tilespmem:v28+s3+$0x0], $0xffff  }
0x9d: {  	s0 =	sadd.s32 $0x200, s0;
	[tilespmem:s30+$0x80] =	vst v6;
	v5 =	vld.idx.msk [tilespmem:v29+s3+$0x0], $0xffff  }
0x9e: {  	[tilespmem:s30+$0x90] =	vst v0  }
0x9f: {  	[tilespmem:s30+$0xA0] =	vst v1  }
0xa0: {  	[tilespmem:s30+$0xB0] =	vst v2  }
0xa1: {  	p1 =	seq.s32 s28, $0x18;
	[tilespmem:s30+$0xC0] =	vst v3  }
0xa2: {  	s29 =	sshll.u32 @!p1 s28, $0xA;
	[tilespmem:s30+$0xD0] =	vst v4  }
0xa3: {  	s1 =	simm.s32 @!p1 $0x0;
	s0 =	sadd.s32 @!p1 s29, s7;
	[tilespmem:s30+$0xE0] =	vst v5;
	s30 =	simm.s32 @!p1 $0x186A0  }
0xa4: {  	[tilespmem:s30], [sflag:$0x1] =	stream.linear.gather @!p1 [hbm4b:s0+s1], $0x1000, $0x38;
	[tilespmem:$0x1C6A0] =	vst v63  }
0xa5: {  	s1 =	sor.u32 s31, s8  }
0xa6: {  	s30 =	sor.u32 s9, s1  }
0xa7: {  	s0 =	sadd.s32 s2, s30  }
0xa8: {  	[hbm4b:s0+s19] =	stream.strided.scatter [tilespmem:s21], [sflag:$0x3], $0x1000, s20, s19, $0x38;
	[tilespmem:$0x1C6A0] =	vst v63  }
0xa9: {  	_ =	swait.ge [sflag:s22], $0x1000  }
0xaa: {  	[sflag:s22] =	ssyncset.done $0x0  }
0xab: {  	s0 =	simm.s32 @!p0 $0x4;
	[sflag:s22] =	ssyncadd.s32 $0xFFFFF000  }
0xac: {  	_ =	swait.ge @!p0 [sflag:s0], $0x1000  }
0xad: {  	[sflag:s0] =	ssyncset.done @!p0 $0x0  }
0xae: {  	s1 =	simm.s32 $0x19890;
	[sflag:s0] =	ssyncadd.s32 @!p0 $0xFFFFF000  }
0xaf: {  	v0 =	vld [tilespmem:s1+$0x0]  }
0xb0: {  	v1 =	vld [tilespmem:s1+$0xFFFFFE20]  }
0xb1: {  	v2 =	vld [tilespmem:s1+$0xFFFFFE30]  }
0xb2: {  	v3 =	vld [tilespmem:s1+$0xFFFFFE40]  }
0xb3: {  	v4 =	vld [tilespmem:s1+$0xFFFFFE50]  }
0xb4: {  	v5 =	vld [tilespmem:s1+$0xFFFFFE60]  }
0xb5: {  	v6 =	vld [tilespmem:s1+$0xFFFFFE70]  }
0xb6: {  	v7 =	vld [tilespmem:s1+$0xFFFFFE80]  }
0xb7: {  	v8 =	vld [tilespmem:s1+$0xFFFFFE90]  }
0xb8: {  	v9 =	vld [tilespmem:s1+$0xFFFFFEA0]  }
0xb9: {  	v10 =	vld [tilespmem:s1+$0xFFFFFEB0]  }
0xba: {  	v11 =	vld [tilespmem:s1+$0xFFFFFEC0]  }
0xbb: {  	v12 =	vld [tilespmem:s1+$0xFFFFFED0]  }
0xbc: {  	v13 =	vld [tilespmem:s1+$0xFFFFFEE0]  }
0xbd: {  	v14 =	vld [tilespmem:s1+$0xFFFFFEF0]  }
0xbe: {  	v15 =	vld [tilespmem:s1+$0xFFFFFF00]  }
0xbf: {  	v16 =	vld [tilespmem:s1+$0xFFFFFF10]  }
0xc0: {  	v17 =	vld [tilespmem:s1+$0xFFFFFF20]  }
0xc1: {  	v18 =	vld [tilespmem:s1+$0xFFFFFF30]  }
0xc2: {  	v19 =	vld [tilespmem:s1+$0xFFFFFF40]  }
0xc3: {  	v20 =	vld [tilespmem:s1+$0xFFFFFF50]  }
0xc4: {  	v21 =	vld [tilespmem:s1+$0xFFFFFF60]  }
0xc5: {  	v22 =	vld [tilespmem:s1+$0xFFFFFF70]  }
0xc6: {  	v23 =	vld [tilespmem:s1+$0xFFFFFF80]  }
0xc7: {  	v24 =	vld [tilespmem:s1+$0xFFFFFF90]  }
0xc8: {  	v25 =	vld [tilespmem:s1+$0xFFFFFFA0]  }
0xc9: {  	v26 =	vld [tilespmem:s1+$0xFFFFFFB0]  }
0xca: {  	v27 =	vld [tilespmem:s1+$0xFFFFFFC0]  }
0xcb: {  	v28 =	vld [tilespmem:s1+$0xFFFFFFD0]  }
0xcc: {  	v29 =	vld [tilespmem:s1+$0xFFFFFFE0]  }
0xcd: {  	v30 =	vld [tilespmem:s1+$0xFFFFFFF0]  }
0xce: {  	v31 =	vld [tilespmem:s1+$0xFFFFFE10]  }
0xcf: {  	v0 =	vld.idx.msk [tilespmem:v0+s3+$0x0], $0xffff  }
0xd0: {  	v1 =	vld.idx.msk [tilespmem:v1+s3+$0x0], $0xffff  }
0xd1: {  	v2 =	vld.idx.msk [tilespmem:v2+s3+$0x0], $0xffff  }
0xd2: {  	v3 =	vld.idx.msk [tilespmem:v3+s3+$0x0], $0xffff  }
0xd3: {  	v4 =	vld.idx.msk [tilespmem:v4+s3+$0x0], $0xffff  }
0xd4: {  	s31 =	simm.s32 $0x1B890;
	v5 =	vld.idx.msk [tilespmem:v5+s3+$0x0], $0xffff  }
0xd5: {  	[tilespmem:s31+$0x0] =	vst v0;
	v0 =	vld.idx.msk [tilespmem:v6+s3+$0x0], $0xffff  }
0xd6: {  	[tilespmem:s31+$0xFFFFFE20] =	vst v1;
	v1 =	vld.idx.msk [tilespmem:v7+s3+$0x0], $0xffff  }
0xd7: {  	v6 =	vld.idx.msk [tilespmem:v31+s3+$0x0], $0xffff;
	[tilespmem:s31+$0xFFFFFE30] =	vst v2  }
0xd8: {  	[tilespmem:s31+$0xFFFFFE40] =	vst v3;
	v2 =	vld.idx.msk [tilespmem:v8+s3+$0x0], $0xffff  }
0xd9: {  	[tilespmem:s31+$0xFFFFFE50] =	vst v4;
	v3 =	vld.idx.msk [tilespmem:v9+s3+$0x0], $0xffff  }
0xda: {  	[tilespmem:s31+$0xFFFFFE60] =	vst v5;
	v4 =	vld.idx.msk [tilespmem:v10+s3+$0x0], $0xffff  }
0xdb: {  	v5 =	vld.idx.msk [tilespmem:v13+s3+$0x0], $0xffff;
	[tilespmem:s31+$0xFFFFFE70] =	vst v0  }
0xdc: {  	v7 =	vld.idx.msk [tilespmem:v24+s3+$0x0], $0xffff;
	[tilespmem:s31+$0xFFFFFE80] =	vst v1  }
0xdd: {  	v0 =	vld.idx.msk [tilespmem:v11+s3+$0x0], $0xffff;
	[tilespmem:s31+$0xFFFFFE10] =	vst v6  }
0xde: {  	v1 =	vld.idx.msk [tilespmem:v12+s3+$0x0], $0xffff;
	[tilespmem:s31+$0xFFFFFE90] =	vst v2  }
0xdf: {  	v2 =	vld.idx.msk [tilespmem:v14+s3+$0x0], $0xffff;
	[tilespmem:s31+$0xFFFFFEA0] =	vst v3  }
0xe0: {  	v3 =	vld.idx.msk [tilespmem:v15+s3+$0x0], $0xffff;
	[tilespmem:s31+$0xFFFFFEB0] =	vst v4  }
0xe1: {  	v4 =	vld.idx.msk [tilespmem:v16+s3+$0x0], $0xffff;
	[tilespmem:s31+$0xFFFFFEE0] =	vst v5  }
0xe2: {  	v5 =	vld.idx.msk [tilespmem:v19+s3+$0x0], $0xffff;
	[tilespmem:s31+$0xFFFFFF90] =	vst v7  }
0xe3: {  	v6 =	vld.idx.msk [tilespmem:v23+s3+$0x0], $0xffff;
	[tilespmem:s31+$0xFFFFFEC0] =	vst v0  }
0xe4: {  	v0 =	vld.idx.msk [tilespmem:v17+s3+$0x0], $0xffff;
	[tilespmem:s31+$0xFFFFFED0] =	vst v1  }
0xe5: {  	v1 =	vld.idx.msk [tilespmem:v18+s3+$0x0], $0xffff;
	[tilespmem:s31+$0xFFFFFEF0] =	vst v2  }
0xe6: {  	v2 =	vld.idx.msk [tilespmem:v20+s3+$0x0], $0xffff;
	[tilespmem:s31+$0xFFFFFF00] =	vst v3  }
0xe7: {  	v3 =	vld.idx.msk [tilespmem:v21+s3+$0x0], $0xffff;
	[tilespmem:s31+$0xFFFFFF10] =	vst v4  }
0xe8: {  	v4 =	vld.idx.msk [tilespmem:v22+s3+$0x0], $0xffff;
	[tilespmem:s31+$0xFFFFFF40] =	vst v5  }
0xe9: {  	[tilespmem:s31+$0xFFFFFF80] =	vst v6;
	v5 =	vld.idx.msk [tilespmem:v30+s3+$0x0], $0xffff  }
0xea: {  	[tilespmem:s31+$0xFFFFFF20] =	vst v0;
	v0 =	vld.idx.msk [tilespmem:v25+s3+$0x0], $0xffff  }
0xeb: {  	[tilespmem:s31+$0xFFFFFF30] =	vst v1;
	v1 =	vld.idx.msk [tilespmem:v26+s3+$0x0], $0xffff  }
0xec: {  	[tilespmem:s31+$0xFFFFFF50] =	vst v2;
	v2 =	vld.idx.msk [tilespmem:v27+s3+$0x0], $0xffff  }
0xed: {  	[tilespmem:s31+$0xFFFFFF60] =	vst v3;
	v3 =	vld.idx.msk [tilespmem:v28+s3+$0x0], $0xffff  }
0xee: {  	s0 =	simm.s32 $0x0;
	s1 =	simm.s32 $0x19A90;
	[tilespmem:s31+$0xFFFFFF70] =	vst v4;
	v4 =	vld.idx.msk [tilespmem:v29+s3+$0x0], $0xffff  }
.LBB2_5:
0xef: {  	v6 =	vld [tilespmem:s1+$0x0];
	s0 =	sadd.s32 $0x200, s0;
	[tilespmem:s31+$0xFFFFFFA0] =	vst v0  }
0xf0: {  	v0 =	vld [tilespmem:s1+$0xFFFFFE20];
	p0 =	slt.u32 s0, $0xE00;
	[tilespmem:s31+$0xFFFFFFB0] =	vst v1  }
0xf1: {  	v1 =	vld [tilespmem:s1+$0xFFFFFE30];
	[tilespmem:s31+$0xFFFFFFC0] =	vst v2  }
0xf2: {  	v2 =	vld [tilespmem:s1+$0xFFFFFE40];
	[tilespmem:s31+$0xFFFFFFD0] =	vst v3  }
0xf3: {  	v3 =	vld [tilespmem:s1+$0xFFFFFE50];
	[tilespmem:s31+$0xFFFFFFE0] =	vst v4  }
0xf4: {  	v4 =	vld [tilespmem:s1+$0xFFFFFE60];
	[tilespmem:s31+$0xFFFFFFF0] =	vst v5  }
0xf5: {  	v5 =	vld [tilespmem:s1+$0xFFFFFE70]  }
0xf6: {  	v7 =	vld [tilespmem:s1+$0xFFFFFE80]  }
0xf7: {  	v6 =	vld.idx.msk [tilespmem:v6+s3+$0x0], $0xffff  }
0xf8: {  	v8 =	vld [tilespmem:s1+$0xFFFFFE90]  }
0xf9: {  	v9 =	vld [tilespmem:s1+$0xFFFFFEA0]  }
0xfa: {  	v10 =	vld [tilespmem:s1+$0xFFFFFEB0]  }
0xfb: {  	v11 =	vld [tilespmem:s1+$0xFFFFFEC0]  }
0xfc: {  	s31 =	sadd.s32 $0x200, s31;
	v12 =	vld [tilespmem:s1+$0xFFFFFED0]  }
0xfd: {  	v13 =	vld [tilespmem:s1+$0xFFFFFEE0];
	[tilespmem:s31+$0x0] =	vst v6  }
0xfe: {  	v6 =	vld [tilespmem:s1+$0xFFFFFEF0]  }
0xff: {  	v14 =	vld [tilespmem:s1+$0xFFFFFF00]  }
0x100: {  	v15 =	vld [tilespmem:s1+$0xFFFFFF10]  }
0x101: {  	v16 =	vld [tilespmem:s1+$0xFFFFFF20]  }
0x102: {  	v17 =	vld [tilespmem:s1+$0xFFFFFF30]  }
0x103: {  	v18 =	vld [tilespmem:s1+$0xFFFFFF40]  }
0x104: {  	v19 =	vld [tilespmem:s1+$0xFFFFFF50]  }
0x105: {  	v20 =	vld [tilespmem:s1+$0xFFFFFF60]  }
0x106: {  	v21 =	vld [tilespmem:s1+$0xFFFFFF70]  }
0x107: {  	v22 =	vld [tilespmem:s1+$0xFFFFFF80]  }
0x108: {  	v23 =	vld [tilespmem:s1+$0xFFFFFF90]  }
0x109: {  	v24 =	vld [tilespmem:s1+$0xFFFFFFA0]  }
0x10a: {  	v25 =	vld [tilespmem:s1+$0xFFFFFFB0]  }
0x10b: {  	v26 =	vld [tilespmem:s1+$0xFFFFFFC0]  }
0x10c: {  	v27 =	vld [tilespmem:s1+$0xFFFFFFD0]  }
0x10d: {  	v28 =	vld [tilespmem:s1+$0xFFFFFFE0]  }
0x10e: {  	v29 =	vld [tilespmem:s1+$0xFFFFFFF0]  }
0x10f: {  	v30 =	vld [tilespmem:s1+$0xFFFFFE10]  }
0x110: {  	v0 =	vld.idx.msk [tilespmem:v0+s3+$0x0], $0xffff  }
0x111: {  	v1 =	vld.idx.msk [tilespmem:v1+s3+$0x0], $0xffff  }
0x112: {  	v2 =	vld.idx.msk [tilespmem:v2+s3+$0x0], $0xffff  }
0x113: {  	v3 =	vld.idx.msk [tilespmem:v3+s3+$0x0], $0xffff  }
0x114: {  	v4 =	vld.idx.msk [tilespmem:v4+s3+$0x0], $0xffff  }
0x115: {  	v5 =	vld.idx.msk [tilespmem:v5+s3+$0x0], $0xffff  }
0x116: {  	[tilespmem:s31+$0xFFFFFE20] =	vst v0;
	v0 =	vld.idx.msk [tilespmem:v7+s3+$0x0], $0xffff  }
0x117: {  	v7 =	vld.idx.msk [tilespmem:v30+s3+$0x0], $0xffff;
	[tilespmem:s31+$0xFFFFFE30] =	vst v1  }
0x118: {  	[tilespmem:s31+$0xFFFFFE40] =	vst v2;
	v1 =	vld.idx.msk [tilespmem:v8+s3+$0x0], $0xffff  }
0x119: {  	[tilespmem:s31+$0xFFFFFE50] =	vst v3;
	v2 =	vld.idx.msk [tilespmem:v9+s3+$0x0], $0xffff  }
0x11a: {  	[tilespmem:s31+$0xFFFFFE60] =	vst v4;
	v3 =	vld.idx.msk [tilespmem:v10+s3+$0x0], $0xffff  }
0x11b: {  	[tilespmem:s31+$0xFFFFFE70] =	vst v5;
	v4 =	vld.idx.msk [tilespmem:v11+s3+$0x0], $0xffff  }
0x11c: {  	[tilespmem:s31+$0xFFFFFE80] =	vst v0;
	v0 =	vld.idx.msk [tilespmem:v12+s3+$0x0], $0xffff  }
0x11d: {  	[tilespmem:s31+$0xFFFFFE10] =	vst v7;
	v5 =	vld.idx.msk [tilespmem:v13+s3+$0x0], $0xffff  }
0x11e: {  	[tilespmem:s31+$0xFFFFFE90] =	vst v1;
	v1 =	vld.idx.msk [tilespmem:v6+s3+$0x0], $0xffff  }
0x11f: {  	[tilespmem:s31+$0xFFFFFEA0] =	vst v2;
	v2 =	vld.idx.msk [tilespmem:v14+s3+$0x0], $0xffff  }
0x120: {  	[tilespmem:s31+$0xFFFFFEB0] =	vst v3;
	v3 =	vld.idx.msk [tilespmem:v15+s3+$0x0], $0xffff  }
0x121: {  	[tilespmem:s31+$0xFFFFFEC0] =	vst v4;
	v4 =	vld.idx.msk [tilespmem:v16+s3+$0x0], $0xffff  }
0x122: {  	[tilespmem:s31+$0xFFFFFED0] =	vst v0;
	v0 =	vld.idx.msk [tilespmem:v17+s3+$0x0], $0xffff  }
0x123: {  	[tilespmem:s31+$0xFFFFFEE0] =	vst v5;
	v5 =	vld.idx.msk [tilespmem:v18+s3+$0x0], $0xffff  }
0x124: {  	[tilespmem:s31+$0xFFFFFEF0] =	vst v1;
	v1 =	vld.idx.msk [tilespmem:v19+s3+$0x0], $0xffff  }
0x125: {  	[tilespmem:s31+$0xFFFFFF00] =	vst v2;
	v2 =	vld.idx.msk [tilespmem:v20+s3+$0x0], $0xffff  }
0x126: {  	[tilespmem:s31+$0xFFFFFF10] =	vst v3;
	v3 =	vld.idx.msk [tilespmem:v21+s3+$0x0], $0xffff  }
0x127: {  	[tilespmem:s31+$0xFFFFFF20] =	vst v4;
	v4 =	vld.idx.msk [tilespmem:v22+s3+$0x0], $0xffff  }
0x128: {  	[tilespmem:s31+$0xFFFFFF30] =	vst v0;
	v6 =	vld.idx.msk [tilespmem:v23+s3+$0x0], $0xffff  }
0x129: {  	[tilespmem:s31+$0xFFFFFF40] =	vst v5;
	v0 =	vld.idx.msk [tilespmem:v24+s3+$0x0], $0xffff  }
.Ltmp1:
0x12a: {  	[tilespmem:s31+$0xFFFFFF50] =	vst v1;
	v1 =	vld.idx.msk [tilespmem:v25+s3+$0x0], $0xffff;
	(pc) =	sbr.rel @p0 .LBB2_5-.Ltmp1, $4  }
0x12b: {  	[tilespmem:s31+$0xFFFFFF60] =	vst v2;
	v2 =	vld.idx.msk [tilespmem:v26+s3+$0x0], $0xffff  }
0x12c: {  	[tilespmem:s31+$0xFFFFFF70] =	vst v3;
	v3 =	vld.idx.msk [tilespmem:v27+s3+$0x0], $0xffff  }
0x12d: {  	[tilespmem:s31+$0xFFFFFF80] =	vst v4;
	v4 =	vld.idx.msk [tilespmem:v28+s3+$0x0], $0xffff  }
0x12e: {  	s1 =	sadd.s32 $0x200, s1;
	[tilespmem:s31+$0xFFFFFF90] =	vst v6;
	v5 =	vld.idx.msk [tilespmem:v29+s3+$0x0], $0xffff  }
0x12f: {  	[tilespmem:s31+$0xFFFFFFA0] =	vst v0  }
0x130: {  	[tilespmem:s31+$0xFFFFFFB0] =	vst v1  }
0x131: {  	s28 =	sadd.s32 $0x1, s28;
	[tilespmem:s31+$0xFFFFFFC0] =	vst v2  }
0x132: {  	p0 =	sne.s32 s28, $0x19;
	[tilespmem:s31+$0xFFFFFFD0] =	vst v3  }
.Ltmp2:
0x133: {  	[tilespmem:s31+$0xFFFFFFE0] =	vst v4;
	(pc) =	sbr.rel @p0 .LBB2_2-.Ltmp2, $4  }
0x134: {  	s0 =	sadd.s32 @!p1 s29, s10;
	s1 =	simm.s32 @!p1 $0x0;
	s29 =	simm.s32 @!p1 $0x196A0;
	[tilespmem:s31+$0xFFFFFFF0] =	vst v5  }
0x135: {  	[tilespmem:s29], [sflag:$0x2] =	stream.linear.gather @!p1 [hbm4b:s0+s1], $0x1000, $0x38;
	[tilespmem:$0x1C6A0] =	vst v63  }
0x136: {  	s31 =	sadd.s32 s30, s11  }
0x137: {  	[hbm4b:s31+s19] =	stream.strided.scatter [tilespmem:s23], [sflag:$0x4], $0x1000, s20, s19, $0x38;
	[tilespmem:$0x1C6A0] =	vst v63  }
0x138: {  	_ =	swait.ge [sflag:s24], $0x1000  }
0x139: {  	[sflag:s24] =	ssyncset.done $0x0  }
0x13a: {  	[sflag:s24] =	ssyncadd.s32 $0xFFFFF000  }
0x13b: {  	_ =	swait.ge [sflag:s25], $0x1000  }
0x13c: {  	[sflag:s25] =	ssyncset.done $0x0  }
0x13d: {  	s28 =	simm.s32 $0x0;
	[sflag:s25] =	ssyncadd.s32 $0xFFFFF000  }
0x13e: {  	[tilespmem:s28], [sflag:$0x5] =	stream.linear.gather [hbm4b:s12+s28], $0x186A0, $0x38;
	[tilespmem:$0x1C6A0] =	vst v63  }
0x13f: {  	_ =	swait.ge [sflag:s15], $0x186A0  }
0x140: {  	[sflag:s15] =	ssyncset.done $0x0  }
0x141: {  	[sflag:s15] =	ssyncadd.s32 $0xFFFE7960  }
0x142: {  	[tilespmem:s16], [sflag:$0x1] =	stream.linear.gather [hbm4b:s4+s28], $0x1000, $0x38;
	[tilespmem:$0x1C6A0] =	vst v63  }
0x143: {  	_ = 	snop  }
0x144: {  	[tilespmem:s17], [sflag:$0x2] =	stream.linear.gather [hbm4b:s6+s28], $0x1000, $0x38;
	[tilespmem:$0x1C6A0] =	vst v63  }
.LBB2_8:
0x145: {  	_ =	swait.ge [sflag:s18], $0x1000  }
0x146: {  	p0 =	seq.s32 s28, $0x0;
	[sflag:s18] =	ssyncset.done $0x0  }
0x147: {  	s0 =	simm.s32 @!p0 $0x3;
	[sflag:s18] =	ssyncadd.s32 $0xFFFFF000  }
0x148: {  	_ =	swait.ge @!p0 [sflag:s0], $0x1000  }
0x149: {  	[sflag:s0] =	ssyncset.done @!p0 $0x0  }
0x14a: {  	s29 =	simm.s32 $0x187A0;
	[sflag:s0] =	ssyncadd.s32 @!p0 $0xFFFFF000  }
0x14b: {  	v0 =	vld [tilespmem:s29+$0xF0]  }
0x14c: {  	v1 =	vld [tilespmem:s29+$0xFFFFFF10]  }
0x14d: {  	v2 =	vld [tilespmem:s29+$0xFFFFFF20]  }
0x14e: {  	v3 =	vld [tilespmem:s29+$0xFFFFFF30]  }
0x14f: {  	v4 =	vld [tilespmem:s29+$0xFFFFFF40]  }
0x150: {  	v5 =	vld [tilespmem:s29+$0xFFFFFF50]  }
0x151: {  	v6 =	vld [tilespmem:s29+$0xFFFFFF60]  }
0x152: {  	v7 =	vld [tilespmem:s29+$0xFFFFFF70]  }
0x153: {  	v8 =	vld [tilespmem:s29+$0xFFFFFF80]  }
0x154: {  	v9 =	vld [tilespmem:s29+$0xFFFFFF90]  }
0x155: {  	v10 =	vld [tilespmem:s29+$0xFFFFFFA0]  }
0x156: {  	v11 =	vld [tilespmem:s29+$0xFFFFFFB0]  }
0x157: {  	v12 =	vld [tilespmem:s29+$0xFFFFFFC0]  }
0x158: {  	v13 =	vld [tilespmem:s29+$0xFFFFFFD0]  }
0x159: {  	v14 =	vld [tilespmem:s29+$0xFFFFFFE0]  }
0x15a: {  	v15 =	vld [tilespmem:s29+$0xFFFFFFF0]  }
0x15b: {  	v16 =	vld [tilespmem:s29+$0x0]  }
0x15c: {  	v17 =	vld [tilespmem:s29+$0x10]  }
0x15d: {  	v18 =	vld [tilespmem:s29+$0x20]  }
0x15e: {  	v19 =	vld [tilespmem:s29+$0x30]  }
0x15f: {  	v20 =	vld [tilespmem:s29+$0x40]  }
0x160: {  	v21 =	vld [tilespmem:s29+$0x50]  }
0x161: {  	v22 =	vld [tilespmem:s29+$0x60]  }
0x162: {  	v23 =	vld [tilespmem:s29+$0x70]  }
0x163: {  	v24 =	vld [tilespmem:s29+$0x80]  }
0x164: {  	v25 =	vld [tilespmem:s29+$0x90]  }
0x165: {  	v26 =	vld [tilespmem:s29+$0xA0]  }
0x166: {  	v27 =	vld [tilespmem:s29+$0xB0]  }
0x167: {  	v28 =	vld [tilespmem:s29+$0xC0]  }
0x168: {  	v29 =	vld [tilespmem:s29+$0xD0]  }
0x169: {  	v30 =	vld [tilespmem:s29+$0xE0]  }
0x16a: {  	v31 =	vld [tilespmem:s29+$0xFFFFFF00]  }
0x16b: {  	v0 =	vld.idx.msk [tilespmem:v0+s3+$0x0], $0xffff  }
0x16c: {  	v1 =	vld.idx.msk [tilespmem:v1+s3+$0x0], $0xffff  }
0x16d: {  	v2 =	vld.idx.msk [tilespmem:v2+s3+$0x0], $0xffff  }
0x16e: {  	v3 =	vld.idx.msk [tilespmem:v3+s3+$0x0], $0xffff  }
0x16f: {  	v4 =	vld.idx.msk [tilespmem:v4+s3+$0x0], $0xffff  }
0x170: {  	s30 =	simm.s32 $0x1A7A0;
	v5 =	vld.idx.msk [tilespmem:v5+s3+$0x0], $0xffff  }
0x171: {  	[tilespmem:s30+$0xF0] =	vst v0;
	v0 =	vld.idx.msk [tilespmem:v6+s3+$0x0], $0xffff  }
0x172: {  	[tilespmem:s30+$0xFFFFFF10] =	vst v1;
	v1 =	vld.idx.msk [tilespmem:v7+s3+$0x0], $0xffff  }
0x173: {  	v6 =	vld.idx.msk [tilespmem:v31+s3+$0x0], $0xffff;
	[tilespmem:s30+$0xFFFFFF20] =	vst v2  }
0x174: {  	[tilespmem:s30+$0xFFFFFF30] =	vst v3;
	v2 =	vld.idx.msk [tilespmem:v8+s3+$0x0], $0xffff  }
0x175: {  	[tilespmem:s30+$0xFFFFFF40] =	vst v4;
	v3 =	vld.idx.msk [tilespmem:v9+s3+$0x0], $0xffff  }
0x176: {  	[tilespmem:s30+$0xFFFFFF50] =	vst v5;
	v4 =	vld.idx.msk [tilespmem:v10+s3+$0x0], $0xffff  }
0x177: {  	v5 =	vld.idx.msk [tilespmem:v13+s3+$0x0], $0xffff;
	[tilespmem:s30+$0xFFFFFF60] =	vst v0  }
0x178: {  	v7 =	vld.idx.msk [tilespmem:v24+s3+$0x0], $0xffff;
	[tilespmem:s30+$0xFFFFFF70] =	vst v1  }
0x179: {  	v0 =	vld.idx.msk [tilespmem:v11+s3+$0x0], $0xffff;
	[tilespmem:s30+$0xFFFFFF00] =	vst v6  }
0x17a: {  	v1 =	vld.idx.msk [tilespmem:v12+s3+$0x0], $0xffff;
	[tilespmem:s30+$0xFFFFFF80] =	vst v2  }
0x17b: {  	v2 =	vld.idx.msk [tilespmem:v14+s3+$0x0], $0xffff;
	[tilespmem:s30+$0xFFFFFF90] =	vst v3  }
0x17c: {  	v3 =	vld.idx.msk [tilespmem:v15+s3+$0x0], $0xffff;
	[tilespmem:s30+$0xFFFFFFA0] =	vst v4  }
0x17d: {  	v4 =	vld.idx.msk [tilespmem:v16+s3+$0x0], $0xffff;
	[tilespmem:s30+$0xFFFFFFD0] =	vst v5  }
0x17e: {  	v5 =	vld.idx.msk [tilespmem:v19+s3+$0x0], $0xffff;
	[tilespmem:s30+$0x80] =	vst v7  }
0x17f: {  	v6 =	vld.idx.msk [tilespmem:v23+s3+$0x0], $0xffff;
	[tilespmem:s30+$0xFFFFFFB0] =	vst v0  }
0x180: {  	v0 =	vld.idx.msk [tilespmem:v17+s3+$0x0], $0xffff;
	[tilespmem:s30+$0xFFFFFFC0] =	vst v1  }
0x181: {  	v1 =	vld.idx.msk [tilespmem:v18+s3+$0x0], $0xffff;
	[tilespmem:s30+$0xFFFFFFE0] =	vst v2  }
0x182: {  	v2 =	vld.idx.msk [tilespmem:v20+s3+$0x0], $0xffff;
	[tilespmem:s30+$0xFFFFFFF0] =	vst v3  }
0x183: {  	v3 =	vld.idx.msk [tilespmem:v21+s3+$0x0], $0xffff;
	[tilespmem:s30+$0x0] =	vst v4  }
0x184: {  	v4 =	vld.idx.msk [tilespmem:v22+s3+$0x0], $0xffff;
	[tilespmem:s30+$0x30] =	vst v5  }
0x185: {  	[tilespmem:s30+$0x70] =	vst v6;
	v5 =	vld.idx.msk [tilespmem:v30+s3+$0x0], $0xffff  }
0x186: {  	[tilespmem:s30+$0x10] =	vst v0;
	v0 =	vld.idx.msk [tilespmem:v25+s3+$0x0], $0xffff  }
0x187: {  	[tilespmem:s30+$0x20] =	vst v1;
	v1 =	vld.idx.msk [tilespmem:v26+s3+$0x0], $0xffff  }
0x188: {  	[tilespmem:s30+$0x40] =	vst v2;
	v2 =	vld.idx.msk [tilespmem:v27+s3+$0x0], $0xffff  }
0x189: {  	[tilespmem:s30+$0x50] =	vst v3;
	v3 =	vld.idx.msk [tilespmem:v28+s3+$0x0], $0xffff  }
0x18a: {  	s31 =	sshll.u32 s28, $0x10;
	s1 =	simm.s32 $0x189A0;
	s0 =	simm.s32 $0x0;
	[tilespmem:s30+$0x60] =	vst v4;
	v4 =	vld.idx.msk [tilespmem:v29+s3+$0x0], $0xffff  }
.LBB2_9:
0x18b: {  	v6 =	vld [tilespmem:s1+$0xF0];
	s0 =	sadd.s32 $0x200, s0;
	[tilespmem:s30+$0x90] =	vst v0  }
0x18c: {  	v0 =	vld [tilespmem:s1+$0xFFFFFF10];
	p1 =	slt.u32 s0, $0xE00;
	[tilespmem:s30+$0xA0] =	vst v1  }
0x18d: {  	v1 =	vld [tilespmem:s1+$0xFFFFFF20];
	[tilespmem:s30+$0xB0] =	vst v2  }
0x18e: {  	v2 =	vld [tilespmem:s1+$0xFFFFFF30];
	[tilespmem:s30+$0xC0] =	vst v3  }
0x18f: {  	v3 =	vld [tilespmem:s1+$0xFFFFFF40];
	[tilespmem:s30+$0xD0] =	vst v4  }
0x190: {  	v4 =	vld [tilespmem:s1+$0xFFFFFF50];
	[tilespmem:s30+$0xE0] =	vst v5  }
0x191: {  	v5 =	vld [tilespmem:s1+$0xFFFFFF60]  }
0x192: {  	v7 =	vld [tilespmem:s1+$0xFFFFFF70]  }
0x193: {  	v6 =	vld.idx.msk [tilespmem:v6+s3+$0x0], $0xffff  }
0x194: {  	v8 =	vld [tilespmem:s1+$0xFFFFFF80]  }
0x195: {  	v9 =	vld [tilespmem:s1+$0xFFFFFF90]  }
0x196: {  	v10 =	vld [tilespmem:s1+$0xFFFFFFA0]  }
0x197: {  	v11 =	vld [tilespmem:s1+$0xFFFFFFB0]  }
0x198: {  	s30 =	sadd.s32 $0x200, s30;
	v12 =	vld [tilespmem:s1+$0xFFFFFFC0]  }
0x199: {  	v13 =	vld [tilespmem:s1+$0xFFFFFFD0];
	[tilespmem:s30+$0xF0] =	vst v6  }
0x19a: {  	v6 =	vld [tilespmem:s1+$0xFFFFFFE0]  }
0x19b: {  	v14 =	vld [tilespmem:s1+$0xFFFFFFF0]  }
0x19c: {  	v15 =	vld [tilespmem:s1+$0x0]  }
0x19d: {  	v16 =	vld [tilespmem:s1+$0x10]  }
0x19e: {  	v17 =	vld [tilespmem:s1+$0x20]  }
0x19f: {  	v18 =	vld [tilespmem:s1+$0x30]  }
0x1a0: {  	v19 =	vld [tilespmem:s1+$0x40]  }
0x1a1: {  	v20 =	vld [tilespmem:s1+$0x50]  }
0x1a2: {  	v21 =	vld [tilespmem:s1+$0x60]  }
0x1a3: {  	v22 =	vld [tilespmem:s1+$0x70]  }
0x1a4: {  	v23 =	vld [tilespmem:s1+$0x80]  }
0x1a5: {  	v24 =	vld [tilespmem:s1+$0x90]  }
0x1a6: {  	v25 =	vld [tilespmem:s1+$0xA0]  }
0x1a7: {  	v26 =	vld [tilespmem:s1+$0xB0]  }
0x1a8: {  	v27 =	vld [tilespmem:s1+$0xC0]  }
0x1a9: {  	v28 =	vld [tilespmem:s1+$0xD0]  }
0x1aa: {  	v29 =	vld [tilespmem:s1+$0xE0]  }
0x1ab: {  	v30 =	vld [tilespmem:s1+$0xFFFFFF00]  }
0x1ac: {  	v0 =	vld.idx.msk [tilespmem:v0+s3+$0x0], $0xffff  }
0x1ad: {  	v1 =	vld.idx.msk [tilespmem:v1+s3+$0x0], $0xffff  }
0x1ae: {  	v2 =	vld.idx.msk [tilespmem:v2+s3+$0x0], $0xffff  }
0x1af: {  	v3 =	vld.idx.msk [tilespmem:v3+s3+$0x0], $0xffff  }
0x1b0: {  	v4 =	vld.idx.msk [tilespmem:v4+s3+$0x0], $0xffff  }
0x1b1: {  	v5 =	vld.idx.msk [tilespmem:v5+s3+$0x0], $0xffff  }
0x1b2: {  	[tilespmem:s30+$0xFFFFFF10] =	vst v0;
	v0 =	vld.idx.msk [tilespmem:v7+s3+$0x0], $0xffff  }
0x1b3: {  	v7 =	vld.idx.msk [tilespmem:v30+s3+$0x0], $0xffff;
	[tilespmem:s30+$0xFFFFFF20] =	vst v1  }
0x1b4: {  	[tilespmem:s30+$0xFFFFFF30] =	vst v2;
	v1 =	vld.idx.msk [tilespmem:v8+s3+$0x0], $0xffff  }
0x1b5: {  	[tilespmem:s30+$0xFFFFFF40] =	vst v3;
	v2 =	vld.idx.msk [tilespmem:v9+s3+$0x0], $0xffff  }
0x1b6: {  	[tilespmem:s30+$0xFFFFFF50] =	vst v4;
	v3 =	vld.idx.msk [tilespmem:v10+s3+$0x0], $0xffff  }
0x1b7: {  	[tilespmem:s30+$0xFFFFFF60] =	vst v5;
	v4 =	vld.idx.msk [tilespmem:v11+s3+$0x0], $0xffff  }
0x1b8: {  	[tilespmem:s30+$0xFFFFFF70] =	vst v0;
	v0 =	vld.idx.msk [tilespmem:v12+s3+$0x0], $0xffff  }
0x1b9: {  	[tilespmem:s30+$0xFFFFFF00] =	vst v7;
	v5 =	vld.idx.msk [tilespmem:v13+s3+$0x0], $0xffff  }
0x1ba: {  	[tilespmem:s30+$0xFFFFFF80] =	vst v1;
	v1 =	vld.idx.msk [tilespmem:v6+s3+$0x0], $0xffff  }
0x1bb: {  	[tilespmem:s30+$0xFFFFFF90] =	vst v2;
	v2 =	vld.idx.msk [tilespmem:v14+s3+$0x0], $0xffff  }
0x1bc: {  	[tilespmem:s30+$0xFFFFFFA0] =	vst v3;
	v3 =	vld.idx.msk [tilespmem:v15+s3+$0x0], $0xffff  }
0x1bd: {  	[tilespmem:s30+$0xFFFFFFB0] =	vst v4;
	v4 =	vld.idx.msk [tilespmem:v16+s3+$0x0], $0xffff  }
0x1be: {  	[tilespmem:s30+$0xFFFFFFC0] =	vst v0;
	v0 =	vld.idx.msk [tilespmem:v17+s3+$0x0], $0xffff  }
0x1bf: {  	[tilespmem:s30+$0xFFFFFFD0] =	vst v5;
	v5 =	vld.idx.msk [tilespmem:v18+s3+$0x0], $0xffff  }
0x1c0: {  	[tilespmem:s30+$0xFFFFFFE0] =	vst v1;
	v1 =	vld.idx.msk [tilespmem:v19+s3+$0x0], $0xffff  }
0x1c1: {  	[tilespmem:s30+$0xFFFFFFF0] =	vst v2;
	v2 =	vld.idx.msk [tilespmem:v20+s3+$0x0], $0xffff  }
0x1c2: {  	[tilespmem:s30+$0x0] =	vst v3;
	v3 =	vld.idx.msk [tilespmem:v21+s3+$0x0], $0xffff  }
0x1c3: {  	[tilespmem:s30+$0x10] =	vst v4;
	v4 =	vld.idx.msk [tilespmem:v22+s3+$0x0], $0xffff  }
0x1c4: {  	[tilespmem:s30+$0x20] =	vst v0;
	v6 =	vld.idx.msk [tilespmem:v23+s3+$0x0], $0xffff  }
0x1c5: {  	[tilespmem:s30+$0x30] =	vst v5;
	v0 =	vld.idx.msk [tilespmem:v24+s3+$0x0], $0xffff  }
.Ltmp3:
0x1c6: {  	[tilespmem:s30+$0x40] =	vst v1;
	v1 =	vld.idx.msk [tilespmem:v25+s3+$0x0], $0xffff;
	(pc) =	sbr.rel @p1 .LBB2_9-.Ltmp3, $4  }
0x1c7: {  	[tilespmem:s30+$0x50] =	vst v2;
	v2 =	vld.idx.msk [tilespmem:v26+s3+$0x0], $0xffff  }
0x1c8: {  	[tilespmem:s30+$0x60] =	vst v3;
	v3 =	vld.idx.msk [tilespmem:v27+s3+$0x0], $0xffff  }
0x1c9: {  	[tilespmem:s30+$0x70] =	vst v4;
	v4 =	vld.idx.msk [tilespmem:v28+s3+$0x0], $0xffff  }
0x1ca: {  	s1 =	sadd.s32 $0x200, s1;
	[tilespmem:s30+$0x80] =	vst v6;
	v5 =	vld.idx.msk [tilespmem:v29+s3+$0x0], $0xffff  }
0x1cb: {  	[tilespmem:s30+$0x90] =	vst v0  }
0x1cc: {  	[tilespmem:s30+$0xA0] =	vst v1  }
0x1cd: {  	[tilespmem:s30+$0xB0] =	vst v2  }
0x1ce: {  	p1 =	seq.s32 s28, $0x18;
	[tilespmem:s30+$0xC0] =	vst v3  }
0x1cf: {  	s29 =	sshll.u32 @!p1 s28, $0xA;
	[tilespmem:s30+$0xD0] =	vst v4  }
0x1d0: {  	s1 =	simm.s32 @!p1 $0x0;
	s0 =	sadd.s32 @!p1 s29, s7;
	[tilespmem:s30+$0xE0] =	vst v5;
	s30 =	simm.s32 @!p1 $0x186A0  }
0x1d1: {  	[tilespmem:s30], [sflag:$0x1] =	stream.linear.gather @!p1 [hbm4b:s0+s1], $0x1000, $0x38;
	[tilespmem:$0x1C6A0] =	vst v63  }
0x1d2: {  	s1 =	sor.u32 s31, s13  }
0x1d3: {  	s30 =	sor.u32 s9, s1  }
0x1d4: {  	s0 =	sadd.s32 s2, s30  }
0x1d5: {  	[hbm4b:s0+s19] =	stream.strided.scatter [tilespmem:s21], [sflag:$0x3], $0x1000, s20, s19, $0x38;
	[tilespmem:$0x1C6A0] =	vst v63  }
0x1d6: {  	_ =	swait.ge [sflag:s22], $0x1000  }
0x1d7: {  	[sflag:s22] =	ssyncset.done $0x0  }
0x1d8: {  	s0 =	simm.s32 @!p0 $0x4;
	[sflag:s22] =	ssyncadd.s32 $0xFFFFF000  }
0x1d9: {  	_ =	swait.ge @!p0 [sflag:s0], $0x1000  }
0x1da: {  	[sflag:s0] =	ssyncset.done @!p0 $0x0  }
0x1db: {  	s1 =	simm.s32 $0x19890;
	[sflag:s0] =	ssyncadd.s32 @!p0 $0xFFFFF000  }
0x1dc: {  	v0 =	vld [tilespmem:s1+$0x0]  }
0x1dd: {  	v1 =	vld [tilespmem:s1+$0xFFFFFE20]  }
0x1de: {  	v2 =	vld [tilespmem:s1+$0xFFFFFE30]  }
0x1df: {  	v3 =	vld [tilespmem:s1+$0xFFFFFE40]  }
0x1e0: {  	v4 =	vld [tilespmem:s1+$0xFFFFFE50]  }
0x1e1: {  	v5 =	vld [tilespmem:s1+$0xFFFFFE60]  }
0x1e2: {  	v6 =	vld [tilespmem:s1+$0xFFFFFE70]  }
0x1e3: {  	v7 =	vld [tilespmem:s1+$0xFFFFFE80]  }
0x1e4: {  	v8 =	vld [tilespmem:s1+$0xFFFFFE90]  }
0x1e5: {  	v9 =	vld [tilespmem:s1+$0xFFFFFEA0]  }
0x1e6: {  	v10 =	vld [tilespmem:s1+$0xFFFFFEB0]  }
0x1e7: {  	v11 =	vld [tilespmem:s1+$0xFFFFFEC0]  }
0x1e8: {  	v12 =	vld [tilespmem:s1+$0xFFFFFED0]  }
0x1e9: {  	v13 =	vld [tilespmem:s1+$0xFFFFFEE0]  }
0x1ea: {  	v14 =	vld [tilespmem:s1+$0xFFFFFEF0]  }
0x1eb: {  	v15 =	vld [tilespmem:s1+$0xFFFFFF00]  }
0x1ec: {  	v16 =	vld [tilespmem:s1+$0xFFFFFF10]  }
0x1ed: {  	v17 =	vld [tilespmem:s1+$0xFFFFFF20]  }
0x1ee: {  	v18 =	vld [tilespmem:s1+$0xFFFFFF30]  }
0x1ef: {  	v19 =	vld [tilespmem:s1+$0xFFFFFF40]  }
0x1f0: {  	v20 =	vld [tilespmem:s1+$0xFFFFFF50]  }
0x1f1: {  	v21 =	vld [tilespmem:s1+$0xFFFFFF60]  }
0x1f2: {  	v22 =	vld [tilespmem:s1+$0xFFFFFF70]  }
0x1f3: {  	v23 =	vld [tilespmem:s1+$0xFFFFFF80]  }
0x1f4: {  	v24 =	vld [tilespmem:s1+$0xFFFFFF90]  }
0x1f5: {  	v25 =	vld [tilespmem:s1+$0xFFFFFFA0]  }
0x1f6: {  	v26 =	vld [tilespmem:s1+$0xFFFFFFB0]  }
0x1f7: {  	v27 =	vld [tilespmem:s1+$0xFFFFFFC0]  }
0x1f8: {  	v28 =	vld [tilespmem:s1+$0xFFFFFFD0]  }
0x1f9: {  	v29 =	vld [tilespmem:s1+$0xFFFFFFE0]  }
0x1fa: {  	v30 =	vld [tilespmem:s1+$0xFFFFFFF0]  }
0x1fb: {  	v31 =	vld [tilespmem:s1+$0xFFFFFE10]  }
0x1fc: {  	v0 =	vld.idx.msk [tilespmem:v0+s3+$0x0], $0xffff  }
0x1fd: {  	v1 =	vld.idx.msk [tilespmem:v1+s3+$0x0], $0xffff  }
0x1fe: {  	v2 =	vld.idx.msk [tilespmem:v2+s3+$0x0], $0xffff  }
0x1ff: {  	v3 =	vld.idx.msk [tilespmem:v3+s3+$0x0], $0xffff  }
0x200: {  	v4 =	vld.idx.msk [tilespmem:v4+s3+$0x0], $0xffff  }
0x201: {  	s31 =	simm.s32 $0x1B890;
	v5 =	vld.idx.msk [tilespmem:v5+s3+$0x0], $0xffff  }
0x202: {  	[tilespmem:s31+$0x0] =	vst v0;
	v0 =	vld.idx.msk [tilespmem:v6+s3+$0x0], $0xffff  }
0x203: {  	[tilespmem:s31+$0xFFFFFE20] =	vst v1;
	v1 =	vld.idx.msk [tilespmem:v7+s3+$0x0], $0xffff  }
0x204: {  	v6 =	vld.idx.msk [tilespmem:v31+s3+$0x0], $0xffff;
	[tilespmem:s31+$0xFFFFFE30] =	vst v2  }
0x205: {  	[tilespmem:s31+$0xFFFFFE40] =	vst v3;
	v2 =	vld.idx.msk [tilespmem:v8+s3+$0x0], $0xffff  }
0x206: {  	[tilespmem:s31+$0xFFFFFE50] =	vst v4;
	v3 =	vld.idx.msk [tilespmem:v9+s3+$0x0], $0xffff  }
0x207: {  	[tilespmem:s31+$0xFFFFFE60] =	vst v5;
	v4 =	vld.idx.msk [tilespmem:v10+s3+$0x0], $0xffff  }
0x208: {  	v5 =	vld.idx.msk [tilespmem:v13+s3+$0x0], $0xffff;
	[tilespmem:s31+$0xFFFFFE70] =	vst v0  }
0x209: {  	v7 =	vld.idx.msk [tilespmem:v24+s3+$0x0], $0xffff;
	[tilespmem:s31+$0xFFFFFE80] =	vst v1  }
0x20a: {  	v0 =	vld.idx.msk [tilespmem:v11+s3+$0x0], $0xffff;
	[tilespmem:s31+$0xFFFFFE10] =	vst v6  }
0x20b: {  	v1 =	vld.idx.msk [tilespmem:v12+s3+$0x0], $0xffff;
	[tilespmem:s31+$0xFFFFFE90] =	vst v2  }
0x20c: {  	v2 =	vld.idx.msk [tilespmem:v14+s3+$0x0], $0xffff;
	[tilespmem:s31+$0xFFFFFEA0] =	vst v3  }
0x20d: {  	v3 =	vld.idx.msk [tilespmem:v15+s3+$0x0], $0xffff;
	[tilespmem:s31+$0xFFFFFEB0] =	vst v4  }
0x20e: {  	v4 =	vld.idx.msk [tilespmem:v16+s3+$0x0], $0xffff;
	[tilespmem:s31+$0xFFFFFEE0] =	vst v5  }
0x20f: {  	v5 =	vld.idx.msk [tilespmem:v19+s3+$0x0], $0xffff;
	[tilespmem:s31+$0xFFFFFF90] =	vst v7  }
0x210: {  	v6 =	vld.idx.msk [tilespmem:v23+s3+$0x0], $0xffff;
	[tilespmem:s31+$0xFFFFFEC0] =	vst v0  }
0x211: {  	v0 =	vld.idx.msk [tilespmem:v17+s3+$0x0], $0xffff;
	[tilespmem:s31+$0xFFFFFED0] =	vst v1  }
0x212: {  	v1 =	vld.idx.msk [tilespmem:v18+s3+$0x0], $0xffff;
	[tilespmem:s31+$0xFFFFFEF0] =	vst v2  }
0x213: {  	v2 =	vld.idx.msk [tilespmem:v20+s3+$0x0], $0xffff;
	[tilespmem:s31+$0xFFFFFF00] =	vst v3  }
0x214: {  	v3 =	vld.idx.msk [tilespmem:v21+s3+$0x0], $0xffff;
	[tilespmem:s31+$0xFFFFFF10] =	vst v4  }
0x215: {  	v4 =	vld.idx.msk [tilespmem:v22+s3+$0x0], $0xffff;
	[tilespmem:s31+$0xFFFFFF40] =	vst v5  }
0x216: {  	[tilespmem:s31+$0xFFFFFF80] =	vst v6;
	v5 =	vld.idx.msk [tilespmem:v30+s3+$0x0], $0xffff  }
0x217: {  	[tilespmem:s31+$0xFFFFFF20] =	vst v0;
	v0 =	vld.idx.msk [tilespmem:v25+s3+$0x0], $0xffff  }
0x218: {  	[tilespmem:s31+$0xFFFFFF30] =	vst v1;
	v1 =	vld.idx.msk [tilespmem:v26+s3+$0x0], $0xffff  }
0x219: {  	[tilespmem:s31+$0xFFFFFF50] =	vst v2;
	v2 =	vld.idx.msk [tilespmem:v27+s3+$0x0], $0xffff  }
0x21a: {  	[tilespmem:s31+$0xFFFFFF60] =	vst v3;
	v3 =	vld.idx.msk [tilespmem:v28+s3+$0x0], $0xffff  }
0x21b: {  	s0 =	simm.s32 $0x0;
	s1 =	simm.s32 $0x19A90;
	[tilespmem:s31+$0xFFFFFF70] =	vst v4;
	v4 =	vld.idx.msk [tilespmem:v29+s3+$0x0], $0xffff  }
.LBB2_11:
0x21c: {  	v6 =	vld [tilespmem:s1+$0x0];
	s0 =	sadd.s32 $0x200, s0;
	[tilespmem:s31+$0xFFFFFFA0] =	vst v0  }
0x21d: {  	v0 =	vld [tilespmem:s1+$0xFFFFFE20];
	p0 =	slt.u32 s0, $0xE00;
	[tilespmem:s31+$0xFFFFFFB0] =	vst v1  }
0x21e: {  	v1 =	vld [tilespmem:s1+$0xFFFFFE30];
	[tilespmem:s31+$0xFFFFFFC0] =	vst v2  }
0x21f: {  	v2 =	vld [tilespmem:s1+$0xFFFFFE40];
	[tilespmem:s31+$0xFFFFFFD0] =	vst v3  }
0x220: {  	v3 =	vld [tilespmem:s1+$0xFFFFFE50];
	[tilespmem:s31+$0xFFFFFFE0] =	vst v4  }
0x221: {  	v4 =	vld [tilespmem:s1+$0xFFFFFE60];
	[tilespmem:s31+$0xFFFFFFF0] =	vst v5  }
0x222: {  	v5 =	vld [tilespmem:s1+$0xFFFFFE70]  }
0x223: {  	v7 =	vld [tilespmem:s1+$0xFFFFFE80]  }
0x224: {  	v6 =	vld.idx.msk [tilespmem:v6+s3+$0x0], $0xffff  }
0x225: {  	v8 =	vld [tilespmem:s1+$0xFFFFFE90]  }
0x226: {  	v9 =	vld [tilespmem:s1+$0xFFFFFEA0]  }
0x227: {  	v10 =	vld [tilespmem:s1+$0xFFFFFEB0]  }
0x228: {  	v11 =	vld [tilespmem:s1+$0xFFFFFEC0]  }
0x229: {  	s31 =	sadd.s32 $0x200, s31;
	v12 =	vld [tilespmem:s1+$0xFFFFFED0]  }
0x22a: {  	v13 =	vld [tilespmem:s1+$0xFFFFFEE0];
	[tilespmem:s31+$0x0] =	vst v6  }
0x22b: {  	v6 =	vld [tilespmem:s1+$0xFFFFFEF0]  }
0x22c: {  	v14 =	vld [tilespmem:s1+$0xFFFFFF00]  }
0x22d: {  	v15 =	vld [tilespmem:s1+$0xFFFFFF10]  }
0x22e: {  	v16 =	vld [tilespmem:s1+$0xFFFFFF20]  }
0x22f: {  	v17 =	vld [tilespmem:s1+$0xFFFFFF30]  }
0x230: {  	v18 =	vld [tilespmem:s1+$0xFFFFFF40]  }
0x231: {  	v19 =	vld [tilespmem:s1+$0xFFFFFF50]  }
0x232: {  	v20 =	vld [tilespmem:s1+$0xFFFFFF60]  }
0x233: {  	v21 =	vld [tilespmem:s1+$0xFFFFFF70]  }
0x234: {  	v22 =	vld [tilespmem:s1+$0xFFFFFF80]  }
0x235: {  	v23 =	vld [tilespmem:s1+$0xFFFFFF90]  }
0x236: {  	v24 =	vld [tilespmem:s1+$0xFFFFFFA0]  }
0x237: {  	v25 =	vld [tilespmem:s1+$0xFFFFFFB0]  }
0x238: {  	v26 =	vld [tilespmem:s1+$0xFFFFFFC0]  }
0x239: {  	v27 =	vld [tilespmem:s1+$0xFFFFFFD0]  }
0x23a: {  	v28 =	vld [tilespmem:s1+$0xFFFFFFE0]  }
0x23b: {  	v29 =	vld [tilespmem:s1+$0xFFFFFFF0]  }
0x23c: {  	v30 =	vld [tilespmem:s1+$0xFFFFFE10]  }
0x23d: {  	v0 =	vld.idx.msk [tilespmem:v0+s3+$0x0], $0xffff  }
0x23e: {  	v1 =	vld.idx.msk [tilespmem:v1+s3+$0x0], $0xffff  }
0x23f: {  	v2 =	vld.idx.msk [tilespmem:v2+s3+$0x0], $0xffff  }
0x240: {  	v3 =	vld.idx.msk [tilespmem:v3+s3+$0x0], $0xffff  }
0x241: {  	v4 =	vld.idx.msk [tilespmem:v4+s3+$0x0], $0xffff  }
0x242: {  	v5 =	vld.idx.msk [tilespmem:v5+s3+$0x0], $0xffff  }
0x243: {  	[tilespmem:s31+$0xFFFFFE20] =	vst v0;
	v0 =	vld.idx.msk [tilespmem:v7+s3+$0x0], $0xffff  }
0x244: {  	v7 =	vld.idx.msk [tilespmem:v30+s3+$0x0], $0xffff;
	[tilespmem:s31+$0xFFFFFE30] =	vst v1  }
0x245: {  	[tilespmem:s31+$0xFFFFFE40] =	vst v2;
	v1 =	vld.idx.msk [tilespmem:v8+s3+$0x0], $0xffff  }
0x246: {  	[tilespmem:s31+$0xFFFFFE50] =	vst v3;
	v2 =	vld.idx.msk [tilespmem:v9+s3+$0x0], $0xffff  }
0x247: {  	[tilespmem:s31+$0xFFFFFE60] =	vst v4;
	v3 =	vld.idx.msk [tilespmem:v10+s3+$0x0], $0xffff  }
0x248: {  	[tilespmem:s31+$0xFFFFFE70] =	vst v5;
	v4 =	vld.idx.msk [tilespmem:v11+s3+$0x0], $0xffff  }
0x249: {  	[tilespmem:s31+$0xFFFFFE80] =	vst v0;
	v0 =	vld.idx.msk [tilespmem:v12+s3+$0x0], $0xffff  }
0x24a: {  	[tilespmem:s31+$0xFFFFFE10] =	vst v7;
	v5 =	vld.idx.msk [tilespmem:v13+s3+$0x0], $0xffff  }
0x24b: {  	[tilespmem:s31+$0xFFFFFE90] =	vst v1;
	v1 =	vld.idx.msk [tilespmem:v6+s3+$0x0], $0xffff  }
0x24c: {  	[tilespmem:s31+$0xFFFFFEA0] =	vst v2;
	v2 =	vld.idx.msk [tilespmem:v14+s3+$0x0], $0xffff  }
0x24d: {  	[tilespmem:s31+$0xFFFFFEB0] =	vst v3;
	v3 =	vld.idx.msk [tilespmem:v15+s3+$0x0], $0xffff  }
0x24e: {  	[tilespmem:s31+$0xFFFFFEC0] =	vst v4;
	v4 =	vld.idx.msk [tilespmem:v16+s3+$0x0], $0xffff  }
0x24f: {  	[tilespmem:s31+$0xFFFFFED0] =	vst v0;
	v0 =	vld.idx.msk [tilespmem:v17+s3+$0x0], $0xffff  }
0x250: {  	[tilespmem:s31+$0xFFFFFEE0] =	vst v5;
	v5 =	vld.idx.msk [tilespmem:v18+s3+$0x0], $0xffff  }
0x251: {  	[tilespmem:s31+$0xFFFFFEF0] =	vst v1;
	v1 =	vld.idx.msk [tilespmem:v19+s3+$0x0], $0xffff  }
0x252: {  	[tilespmem:s31+$0xFFFFFF00] =	vst v2;
	v2 =	vld.idx.msk [tilespmem:v20+s3+$0x0], $0xffff  }
0x253: {  	[tilespmem:s31+$0xFFFFFF10] =	vst v3;
	v3 =	vld.idx.msk [tilespmem:v21+s3+$0x0], $0xffff  }
0x254: {  	[tilespmem:s31+$0xFFFFFF20] =	vst v4;
	v4 =	vld.idx.msk [tilespmem:v22+s3+$0x0], $0xffff  }
0x255: {  	[tilespmem:s31+$0xFFFFFF30] =	vst v0;
	v6 =	vld.idx.msk [tilespmem:v23+s3+$0x0], $0xffff  }
0x256: {  	[tilespmem:s31+$0xFFFFFF40] =	vst v5;
	v0 =	vld.idx.msk [tilespmem:v24+s3+$0x0], $0xffff  }
.Ltmp4:
0x257: {  	[tilespmem:s31+$0xFFFFFF50] =	vst v1;
	v1 =	vld.idx.msk [tilespmem:v25+s3+$0x0], $0xffff;
	(pc) =	sbr.rel @p0 .LBB2_11-.Ltmp4, $4  }
0x258: {  	[tilespmem:s31+$0xFFFFFF60] =	vst v2;
	v2 =	vld.idx.msk [tilespmem:v26+s3+$0x0], $0xffff  }
0x259: {  	[tilespmem:s31+$0xFFFFFF70] =	vst v3;
	v3 =	vld.idx.msk [tilespmem:v27+s3+$0x0], $0xffff  }
0x25a: {  	[tilespmem:s31+$0xFFFFFF80] =	vst v4;
	v4 =	vld.idx.msk [tilespmem:v28+s3+$0x0], $0xffff  }
0x25b: {  	s1 =	sadd.s32 $0x200, s1;
	[tilespmem:s31+$0xFFFFFF90] =	vst v6;
	v5 =	vld.idx.msk [tilespmem:v29+s3+$0x0], $0xffff  }
0x25c: {  	[tilespmem:s31+$0xFFFFFFA0] =	vst v0  }
0x25d: {  	[tilespmem:s31+$0xFFFFFFB0] =	vst v1  }
0x25e: {  	s28 =	sadd.s32 $0x1, s28;
	[tilespmem:s31+$0xFFFFFFC0] =	vst v2  }
0x25f: {  	p0 =	sne.s32 s28, $0x19;
	[tilespmem:s31+$0xFFFFFFD0] =	vst v3  }
.Ltmp5:
0x260: {  	[tilespmem:s31+$0xFFFFFFE0] =	vst v4;
	(pc) =	sbr.rel @p0 .LBB2_8-.Ltmp5, $4  }
0x261: {  	s0 =	sadd.s32 @!p1 s29, s10;
	s1 =	simm.s32 @!p1 $0x0;
	s29 =	simm.s32 @!p1 $0x196A0;
	[tilespmem:s31+$0xFFFFFFF0] =	vst v5  }
0x262: {  	[tilespmem:s29], [sflag:$0x2] =	stream.linear.gather @!p1 [hbm4b:s0+s1], $0x1000, $0x38;
	[tilespmem:$0x1C6A0] =	vst v63  }
0x263: {  	s31 =	sadd.s32 s30, s11  }
0x264: {  	[hbm4b:s31+s19] =	stream.strided.scatter [tilespmem:s23], [sflag:$0x4], $0x1000, s20, s19, $0x38;
	[tilespmem:$0x1C6A0] =	vst v63  }
0x265: {  	s26 =	sadd.s32 $0x1, s26  }
0x266: {  	_ =	swait.ge [sflag:s24], $0x1000;
	p0 =	sne.s32 s26, s14  }
.Ltmp6:
0x267: {  	[sflag:s24] =	ssyncset.done $0x0;
	(pc) =	sbr.rel @p0 .LBB2_1-.Ltmp6, $4  }
0x268: {  	[sflag:s24] =	ssyncadd.s32 $0xFFFFF000  }
0x269: {  	_ =	swait.ge [sflag:s25], $0x1000  }
0x26a: {  	[sflag:s25] =	ssyncset.done $0x0  }
0x26b: {  	[sflag:s25] =	ssyncadd.s32 $0xFFFFF000  }
0x26c: {  	_ =	sfence.sel $0x180000  }
0x26d: {  	[bflag:$0x0] =	sbarrier.arrive $0xFFFF  }
0x26e: {  	_ =	strace $0x90000047  }
0x26f: {  	s0 =	stileid.u32;
	[bflag:$0x2] =	sbarrier.arrive $0xFFFF  }
0x270: {  	p0 =	sne.s32 s0, $0x0;
	s0 =	rddreg [dreg:$0x2]  }
0x271: {  	s0 =	sadd.s32 @!p0 $0x100000, s0  }
0x272: {  	[sflag:s0] =	ssyncadd.tile.s32 @!p0 $0x1;
	_ =	shalt  }
.Lfunc_end2:
_tile_overlayer_lowered:
.L_overlay_start_2:
0x273: {  	(tag) =	ssettag $0x2  }
0x274: {  	s0 =	rddreg [dreg:$0x0];
	s2 =	stileid.u32  }
0x275: {  	s1 =	rddreg [dreg:$0x1];
	p0 =	sne.s32 s2, $0x0  }
0x276: {  	s3 =	rddreg [dreg:$0x2];
	[bflag:$0x3] =	sbarrier.arrive $0xFFFF;
	s2 =	simm.s32 @!p0 $0x1C05  }
0x277: {  	[timem:s3], [sflag:s2] =	dma.local @!p0 [hbm:s0], s1  }
0x278: {  	s0 =	simm.s32 @!p0 $0x5  }
0x279: {  	_ =	swait.ge @!p0 [sflag:s0], s1  }
0x27a: {  	s1 =	ssub.s32 @!p0 $0x0, s1;
	[sflag:s0] =	ssyncset.done @!p0 $0x0  }
0x27b: {  	[sflag:s0] =	ssyncadd.s32 @!p0 s1  }
0x27c: {  	[bflag:$0x3] =	sbarrier.arrive $0xFFFF  }
0x27d: {  	_ =	shalt  }

</sc_bundles>
